<compile_context>
chip_gen: v7x
topology: tpu7x:2x2x1
jax: 0.10.2.dev20260603
libtpu: 0.0.44.dev20260713+nightly
codegen_flags: <defaults>
</compile_context>

<pallas_src>
import functools

import jax
import jax.numpy as jnp
from jax import lax
from jax.experimental import pallas as pl
from jax.experimental.pallas import tpu as pltpu
from jax.experimental.pallas import tpu_sc as plsc

AUXW = 0.01
_NC, _NS, _L = 2, 16, 16


def _router_body(x_ref, rw_ref, wft_ref, scol_ref, wtf_ref, xb_ref, *, n, e):
    x = x_ref[...]
    rw = rw_ref[...]
    lt = jax.lax.dot_general(rw, x, (((1,), (1,)), ((), ())),
                             preferred_element_type=jnp.float32)
    m = jnp.max(lt, axis=0, keepdims=True)
    ex = jnp.exp(lt - m)
    p = ex / jnp.sum(ex, axis=0, keepdims=True)
    iota = jax.lax.broadcasted_iota(jnp.int32, (e, n), 0)
    m1 = jnp.max(p, axis=0, keepdims=True)
    i1 = jnp.min(jnp.where(p == m1, iota, e), axis=0, keepdims=True)
    sel1 = iota == i1
    pm = jnp.where(sel1, -1.0, p)
    m2 = jnp.max(pm, axis=0, keepdims=True)
    i2 = jnp.min(jnp.where(pm == m2, iota, e), axis=0, keepdims=True)
    sel2 = iota == i2
    s = m1 + m2
    wft = jnp.where(sel1, m1 / s, 0.0) + jnp.where(sel2, m2 / s, 0.0)
    wft_ref[...] = wft
    scol_ref[...] = jnp.sum(wft, axis=1, keepdims=True)
    for ei in range(e):
        wtf_ref[pl.ds(ei * n, n)] = wft[ei]
    xb_ref[...] = x.astype(jnp.bfloat16)


def _make_aux_sc(n, e):
    nw = _NC * _NS
    tpw = n // nw
    nch = tpw // _L
    mesh = plsc.VectorSubcoreMesh(core_axis_name="c", subcore_axis_name="s")

    @functools.partial(
        pl.kernel, mesh=mesh,
        out_type=jax.ShapeDtypeStruct((nw, _L), jnp.float32),
        compiler_params=pltpu.CompilerParams(needs_layout_passes=False),
        scratch_types=[
            pltpu.VMEM((tpw * e,), jnp.float32),
            pltpu.VMEM((_L,), jnp.float32),
        ],
    )
    def aux_k(wtf_hbm, sall_hbm, lv, svv):
        wid = lax.axis_index("s") * _NC + lax.axis_index("c")
        base = wid * tpw
        for ei in range(e):
            pltpu.sync_copy(wtf_hbm.at[pl.ds(ei * n + base, tpw)],
                            lv.at[pl.ds(ei * tpw, tpw)])
        lane = lax.broadcasted_iota(jnp.int32, (_L,), 0)
        sv = jnp.zeros((_L,), jnp.float32)
        for ei in range(e):
            acc = jnp.zeros((_L,), jnp.float32)
            for c in range(nch):
                acc = acc + lv[pl.ds(ei * tpw + c * _L, _L)]
            sv = jnp.where(lane == ei, jnp.sum(acc), sv)
        svv[...] = sv
        pltpu.sync_copy(svv, sall_hbm.at[wid])

    return aux_k


def _ffn_body(eo_ref, na_ref, x_ref, wf_ref, gw_ref, gb_ref, uw_ref, ub_ref,
              dw_ref, db_ref, out_ref, wcol_ref, *, n, e, nib):
    ei = pl.program_id(0)
    ii = pl.program_id(1)

    @pl.when((ei == 0) & (ii == 0))
    def _():
        out_ref[...] = jnp.zeros_like(out_ref)

    @pl.when(ei < na_ref[0])
    def _():
        emap = eo_ref[jnp.minimum(ei, na_ref[0] - 1)]

        @pl.when(ii == 0)
        def _():
            onehot = (jax.lax.broadcasted_iota(jnp.int32, (e, 1), 0)
                      == emap).astype(jnp.float32)
            wcol_ref[...] = jax.lax.dot_general(
                wf_ref[...], onehot, (((0,), (0,)), ((), ())),
                preferred_element_type=jnp.float32)
            out_ref[...] = out_ref[...] + wcol_ref[...] * db_ref[0]

        wcol = wcol_ref[...]
        x = x_ref[...]
        gw = gw_ref[0].astype(jnp.bfloat16)
        uw = uw_ref[0].astype(jnp.bfloat16)
        dw = dw_ref[0].astype(jnp.bfloat16)
        g = jax.lax.dot_general(x, gw, (((1,), (1,)), ((), ())),
                                preferred_element_type=jnp.float32)
        g = g + gb_ref[0, 0]
        u = jax.lax.dot_general(x, uw, (((1,), (1,)), ((), ())),
                                preferred_element_type=jnp.float32)
        u = u + ub_ref[0, 0]
        a = (g * jax.nn.sigmoid(g) * (u * wcol)).astype(jnp.bfloat16)
        part = jax.lax.dot_general(a, dw, (((1,), (1,)), ((), ())),
                                   preferred_element_type=jnp.float32)
        out_ref[...] = out_ref[...] + part


def kernel(hidden_states, router_W, gate_W, gate_b, up_W, up_b, down_W,
           down_b):
    b, s, h = hidden_states.shape
    e, i_dim = gate_W.shape[:2]
    n = b * s
    x = hidden_states.reshape(n, h)

    wft, scol, wtf, xb = pl.pallas_call(
        functools.partial(_router_body, n=n, e=e),
        out_shape=(
            jax.ShapeDtypeStruct((e, n), jnp.float32),
            jax.ShapeDtypeStruct((e, 1), jnp.float32),
            jax.ShapeDtypeStruct((n * e,), jnp.float32),
            jax.ShapeDtypeStruct((n, h), jnp.bfloat16),
        ),
    )(x, router_W)

    sall = _make_aux_sc(n, e)(wtf)
    aux_col = jnp.sum(sall[:, :e], axis=0)
    aux = jnp.sum(aux_col * aux_col) * (AUXW / n)

    iota8 = jnp.arange(e, dtype=jnp.int32)
    active = scol[:, 0] > 0.0
    eorder = jnp.argsort(jnp.where(active, iota8, iota8 + e)).astype(jnp.int32)
    nact = jnp.sum(active.astype(jnp.int32)).reshape(1)

    ib = 1024
    nib = i_dim // ib

    def wspec_in(ei, ii, eo, na):
        act = ei < na[0]
        eix = eo[jnp.where(act, ei, na[0] - 1)]
        iix = jnp.where(act, ii, nib - 1)
        return eix, iix

    grid_spec = pltpu.PrefetchScalarGridSpec(
        num_scalar_prefetch=2,
        grid=(e, nib),
        in_specs=[
            pl.BlockSpec((n, h), lambda ei, ii, eo, na: (0, 0)),
            pl.BlockSpec((e, n), lambda ei, ii, eo, na: (0, 0)),
            pl.BlockSpec((1, ib, h),
                         lambda ei, ii, eo, na: (*wspec_in(ei, ii, eo, na), 0)),
            pl.BlockSpec((1, 1, 1, ib),
                         lambda ei, ii, eo, na: (*wspec_in(ei, ii, eo, na), 0, 0)),
            pl.BlockSpec((1, ib, h),
                         lambda ei, ii, eo, na: (*wspec_in(ei, ii, eo, na), 0)),
            pl.BlockSpec((1, 1, 1, ib),
                         lambda ei, ii, eo, na: (*wspec_in(ei, ii, eo, na), 0, 0)),
            pl.BlockSpec((1, h, ib),
                         lambda ei, ii, eo, na:
                         (wspec_in(ei, ii, eo, na)[0], 0,
                          wspec_in(ei, ii, eo, na)[1])),
            pl.BlockSpec((1, 1, h),
                         lambda ei, ii, eo, na:
                         (wspec_in(ei, ii, eo, na)[0], 0, 0)),
        ],
        out_specs=pl.BlockSpec((n, h), lambda ei, ii, eo, na: (0, 0)),
        scratch_shapes=[pltpu.VMEM((n, 1), jnp.float32)],
    )

    combined = pl.pallas_call(
        functools.partial(_ffn_body, n=n, e=e, nib=nib),
        grid_spec=grid_spec,
        out_shape=jax.ShapeDtypeStruct((n, h), jnp.float32),
        compiler_params=pltpu.CompilerParams(
            dimension_semantics=("arbitrary", "arbitrary"),
            vmem_limit_bytes=120 * 1024 * 1024),
    )(eorder, nact, xb, wft, gate_W, gate_b.reshape(e, nib, 1, ib), up_W,
      up_b.reshape(e, nib, 1, ib), down_W, down_b.reshape(e, 1, h))

    return combined.reshape(b, s, h), aux

# --- scband reference (transcript-rebuilt; emitter-appended) ---
"""Pipeline reference for scband-mixture-of-experts-72816875536958 (READ-ONLY COPY).

The authoritative reference and input builder live on the scoring server;
editing this copy changes nothing except your own understanding.
"""

import jax, jax.numpy as jnp
import numpy as np

B, S, H, I, E, K = 1, 2048, 1024, 4096, 8, 2
AUX_W = 0.01

def setup_inputs(seed: int = 0) -> dict:
    key = jax.random.key(seed)
    ks = jax.random.split(key, 8)
    s = 0.02
    return {
        "hidden_states": jax.random.normal(ks[0], (B, S, H), dtype=jnp.float32),
        "router_W": jnp.zeros((E, H), dtype=jnp.float32),  # router weight zero-initialized as in torch code
        "gate_W": jax.random.normal(ks[1], (E, I, H), dtype=jnp.float32) * s,
        "gate_b": jnp.zeros((E, I), dtype=jnp.float32),
        "up_W": jax.random.normal(ks[2], (E, I, H), dtype=jnp.float32) * s,
        "up_b": jnp.zeros((E, I), dtype=jnp.float32),
        "down_W": jax.random.normal(ks[3], (E, H, I), dtype=jnp.float32) * s,
        "down_b": jnp.zeros((E, H), dtype=jnp.float32),
    }

def reference(hidden_states, router_W, gate_W, gate_b, up_W, up_b, down_W, down_b):
    b, s, h = hidden_states.shape
    e = router_W.shape[0]
    k = K
    # router (eval mode, no jitter)
    router_logits = jnp.einsum('bsh,eh->bse', hidden_states, router_W).reshape(-1, e)
    routing_probs = jax.nn.softmax(router_logits, axis=-1)
    routing_weights, selected_experts = jax.lax.top_k(routing_probs, k)
    routing_weights = routing_weights / jnp.sum(routing_weights, axis=-1, keepdims=True)
    n = routing_probs.shape[0]
    rows = jnp.arange(n)[:, None]
    router_prob_per_expert = jnp.zeros_like(routing_probs).at[rows, selected_experts].add(routing_weights)
    aux_loss = jnp.mean(jnp.sum(router_prob_per_expert, axis=0) * jnp.mean(router_prob_per_expert, axis=0)) * e * AUX_W
    dispatch_mask = jax.nn.one_hot(selected_experts, e, dtype=jnp.float32)  # [n, k, e]
    combine_weights = routing_weights[:, :, None]  # [n, k, 1]
    x_flat = hidden_states.reshape(-1, h)
    expert_outputs = jnp.zeros((n, k, h), dtype=jnp.float32)
    for ei in range(e):
        mask_e = dispatch_mask[:, :, ei]  # [n, k]
        gate = jax.nn.silu(x_flat @ gate_W[ei].T + gate_b[ei])
        up = x_flat @ up_W[ei].T + up_b[ei]
        processed = (gate * up) @ down_W[ei].T + down_b[ei]
        expert_outputs = expert_outputs + mask_e[:, :, None] * processed[:, None, :]
    combined = jnp.sum(expert_outputs * combine_weights, axis=1).reshape(b, s, h)
    return combined, aux_loss

if __name__ == "__main__":
    import jax
    _d = setup_inputs()
    print(jax.jit(kernel)(*tuple(_d.values())))

</pallas_src>

<mosaic_0001>
#map = affine_map<(d0, d1) -> (0)>
#map1 = affine_map<(d0, d1) -> (0, 0)>
module attributes {stable_mosaic.version = 14 : i64} {
  func.func @aux_k(%arg0: i32, %arg1: i32, %arg2: memref<16384xf32, #tpu.memory_space<hbm>>, %arg3: memref<32x16xf32, #tpu.memory_space<hbm>>, %arg4: memref<512xf32, #tpu.memory_space<vmem>>, %arg5: memref<16xf32, #tpu.memory_space<vmem>>) attributes {dimension_semantics = [#tpu.dimension_semantics<core_parallel>, #tpu.dimension_semantics<subcore_parallel>], iteration_bounds = array<i64: 2, 16>, scalar_prefetch = 0 : i64, scratch_operands = 2 : i64, tpu.core_type = #tpu.core_type<sc_vector_subcore>, window_params = [{transform_indices = #map}, {transform_indices = #map1}]} {
    %mul3A = arith.constant 2 : i32
    %mul3A_0 = arith.muli %arg1, %mul3A : i32
    %add3A = arith.addi %mul3A_0, %arg0 : i32
    %mul3A_1 = arith.constant 64 : i32
    %mul3A_2 = arith.muli %add3A, %mul3A_1 : i32
    %add3A_3 = arith.constant 0 : i32
    %add3A_4 = arith.addi %add3A_3, %mul3A_2 : i32
    "tpu.region"() ({
      %run_scoped3A = tpu.sem_alloc : memref<!tpu.dma_semaphore, #tpu.memory_space<semaphore_mem>>
      %dma_start3A = arith.constant 0 : i32
      %dma_start3A_201 = tpu.memref_slice %arg4[%dma_start3A] : memref<512xf32, #tpu.memory_space<vmem>> -> memref<64xf32, #tpu.memory_space<vmem>>
      %dma_start3A_202 = tpu.memref_slice %arg2[%add3A_4] : memref<16384xf32, #tpu.memory_space<hbm>> -> memref<64xf32, #tpu.memory_space<hbm>>
      %dma_start3A_203 = arith.constant 0 : i32
      %dma_start3A_204 = tpu.memref_slice %arg4[%dma_start3A_203] : memref<512xf32, #tpu.memory_space<vmem>> -> memref<64xf32, #tpu.memory_space<vmem>>
      %dma_start3A_205 = tpu.memref_slice %arg2[%add3A_4] : memref<16384xf32, #tpu.memory_space<hbm>> -> memref<64xf32, #tpu.memory_space<hbm>>
      tpu.enqueue_dma source(%dma_start3A_205 : memref<64xf32, #tpu.memory_space<hbm>>) target(%dma_start3A_204 : memref<64xf32, #tpu.memory_space<vmem>>) target_semaphore(%run_scoped3A : memref<!tpu.dma_semaphore, #tpu.memory_space<semaphore_mem>>)
      %dma_wait3A = arith.constant 0 : i32
      %dma_wait3A_206 = tpu.memref_slice %arg4[%dma_wait3A] : memref<512xf32, #tpu.memory_space<vmem>> -> memref<64xf32, #tpu.memory_space<vmem>>
      %dma_wait3A_207 = tpu.memref_slice %arg2[%add3A_4] : memref<16384xf32, #tpu.memory_space<hbm>> -> memref<64xf32, #tpu.memory_space<hbm>>
      %dma_wait3A_208 = arith.constant 0 : i32
      %dma_wait3A_209 = tpu.memref_slice %arg4[%dma_wait3A_208] : memref<512xf32, #tpu.memory_space<vmem>> -> memref<64xf32, #tpu.memory_space<vmem>>
      %dma_wait3A_210 = tpu.memref_slice %arg2[%add3A_4] : memref<16384xf32, #tpu.memory_space<hbm>> -> memref<64xf32, #tpu.memory_space<hbm>>
      tpu.wait_dma2 semaphore(%run_scoped3A : memref<!tpu.dma_semaphore, #tpu.memory_space<semaphore_mem>>) src(%dma_wait3A_210 : memref<64xf32, #tpu.memory_space<hbm>>) dst(%dma_wait3A_209 : memref<64xf32, #tpu.memory_space<vmem>>)
      tpu.yield
    }) : () -> ()
    %add3A_5 = arith.constant 2048 : i32
    %add3A_6 = arith.addi %add3A_5, %mul3A_2 : i32
    "tpu.region"() ({
      %run_scoped3A = tpu.sem_alloc : memref<!tpu.dma_semaphore, #tpu.memory_space<semaphore_mem>>
      %dma_start3A = arith.constant 64 : i32
      %dma_start3A_201 = tpu.memref_slice %arg4[%dma_start3A] : memref<512xf32, #tpu.memory_space<vmem>> -> memref<64xf32, #tpu.memory_space<vmem>>
      %dma_start3A_202 = tpu.memref_slice %arg2[%add3A_6] : memref<16384xf32, #tpu.memory_space<hbm>> -> memref<64xf32, #tpu.memory_space<hbm>>
      %dma_start3A_203 = arith.constant 64 : i32
      %dma_start3A_204 = tpu.memref_slice %arg4[%dma_start3A_203] : memref<512xf32, #tpu.memory_space<vmem>> -> memref<64xf32, #tpu.memory_space<vmem>>
      %dma_start3A_205 = tpu.memref_slice %arg2[%add3A_6] : memref<16384xf32, #tpu.memory_space<hbm>> -> memref<64xf32, #tpu.memory_space<hbm>>
      tpu.enqueue_dma source(%dma_start3A_205 : memref<64xf32, #tpu.memory_space<hbm>>) target(%dma_start3A_204 : memref<64xf32, #tpu.memory_space<vmem>>) target_semaphore(%run_scoped3A : memref<!tpu.dma_semaphore, #tpu.memory_space<semaphore_mem>>)
      %dma_wait3A = arith.constant 64 : i32
      %dma_wait3A_206 = tpu.memref_slice %arg4[%dma_wait3A] : memref<512xf32, #tpu.memory_space<vmem>> -> memref<64xf32, #tpu.memory_space<vmem>>
      %dma_wait3A_207 = tpu.memref_slice %arg2[%add3A_6] : memref<16384xf32, #tpu.memory_space<hbm>> -> memref<64xf32, #tpu.memory_space<hbm>>
      %dma_wait3A_208 = arith.constant 64 : i32
      %dma_wait3A_209 = tpu.memref_slice %arg4[%dma_wait3A_208] : memref<512xf32, #tpu.memory_space<vmem>> -> memref<64xf32, #tpu.memory_space<vmem>>
      %dma_wait3A_210 = tpu.memref_slice %arg2[%add3A_6] : memref<16384xf32, #tpu.memory_space<hbm>> -> memref<64xf32, #tpu.memory_space<hbm>>
      tpu.wait_dma2 semaphore(%run_scoped3A : memref<!tpu.dma_semaphore, #tpu.memory_space<semaphore_mem>>) src(%dma_wait3A_210 : memref<64xf32, #tpu.memory_space<hbm>>) dst(%dma_wait3A_209 : memref<64xf32, #tpu.memory_space<vmem>>)
      tpu.yield
    }) : () -> ()
    %add3A_7 = arith.constant 4096 : i32
    %add3A_8 = arith.addi %add3A_7, %mul3A_2 : i32
    "tpu.region"() ({
      %run_scoped3A = tpu.sem_alloc : memref<!tpu.dma_semaphore, #tpu.memory_space<semaphore_mem>>
      %dma_start3A = arith.constant 128 : i32
      %dma_start3A_201 = tpu.memref_slice %arg4[%dma_start3A] : memref<512xf32, #tpu.memory_space<vmem>> -> memref<64xf32, #tpu.memory_space<vmem>>
      %dma_start3A_202 = tpu.memref_slice %arg2[%add3A_8] : memref<16384xf32, #tpu.memory_space<hbm>> -> memref<64xf32, #tpu.memory_space<hbm>>
      %dma_start3A_203 = arith.constant 128 : i32
      %dma_start3A_204 = tpu.memref_slice %arg4[%dma_start3A_203] : memref<512xf32, #tpu.memory_space<vmem>> -> memref<64xf32, #tpu.memory_space<vmem>>
      %dma_start3A_205 = tpu.memref_slice %arg2[%add3A_8] : memref<16384xf32, #tpu.memory_space<hbm>> -> memref<64xf32, #tpu.memory_space<hbm>>
      tpu.enqueue_dma source(%dma_start3A_205 : memref<64xf32, #tpu.memory_space<hbm>>) target(%dma_start3A_204 : memref<64xf32, #tpu.memory_space<vmem>>) target_semaphore(%run_scoped3A : memref<!tpu.dma_semaphore, #tpu.memory_space<semaphore_mem>>)
      %dma_wait3A = arith.constant 128 : i32
      %dma_wait3A_206 = tpu.memref_slice %arg4[%dma_wait3A] : memref<512xf32, #tpu.memory_space<vmem>> -> memref<64xf32, #tpu.memory_space<vmem>>
      %dma_wait3A_207 = tpu.memref_slice %arg2[%add3A_8] : memref<16384xf32, #tpu.memory_space<hbm>> -> memref<64xf32, #tpu.memory_space<hbm>>
      %dma_wait3A_208 = arith.constant 128 : i32
      %dma_wait3A_209 = tpu.memref_slice %arg4[%dma_wait3A_208] : memref<512xf32, #tpu.memory_space<vmem>> -> memref<64xf32, #tpu.memory_space<vmem>>
      %dma_wait3A_210 = tpu.memref_slice %arg2[%add3A_8] : memref<16384xf32, #tpu.memory_space<hbm>> -> memref<64xf32, #tpu.memory_space<hbm>>
      tpu.wait_dma2 semaphore(%run_scoped3A : memref<!tpu.dma_semaphore, #tpu.memory_space<semaphore_mem>>) src(%dma_wait3A_210 : memref<64xf32, #tpu.memory_space<hbm>>) dst(%dma_wait3A_209 : memref<64xf32, #tpu.memory_space<vmem>>)
      tpu.yield
    }) : () -> ()
    %add3A_9 = arith.constant 6144 : i32
    %add3A_10 = arith.addi %add3A_9, %mul3A_2 : i32
    "tpu.region"() ({
      %run_scoped3A = tpu.sem_alloc : memref<!tpu.dma_semaphore, #tpu.memory_space<semaphore_mem>>
      %dma_start3A = arith.constant 192 : i32
      %dma_start3A_201 = tpu.memref_slice %arg4[%dma_start3A] : memref<512xf32, #tpu.memory_space<vmem>> -> memref<64xf32, #tpu.memory_space<vmem>>
      %dma_start3A_202 = tpu.memref_slice %arg2[%add3A_10] : memref<16384xf32, #tpu.memory_space<hbm>> -> memref<64xf32, #tpu.memory_space<hbm>>
      %dma_start3A_203 = arith.constant 192 : i32
      %dma_start3A_204 = tpu.memref_slice %arg4[%dma_start3A_203] : memref<512xf32, #tpu.memory_space<vmem>> -> memref<64xf32, #tpu.memory_space<vmem>>
      %dma_start3A_205 = tpu.memref_slice %arg2[%add3A_10] : memref<16384xf32, #tpu.memory_space<hbm>> -> memref<64xf32, #tpu.memory_space<hbm>>
      tpu.enqueue_dma source(%dma_start3A_205 : memref<64xf32, #tpu.memory_space<hbm>>) target(%dma_start3A_204 : memref<64xf32, #tpu.memory_space<vmem>>) target_semaphore(%run_scoped3A : memref<!tpu.dma_semaphore, #tpu.memory_space<semaphore_mem>>)
      %dma_wait3A = arith.constant 192 : i32
      %dma_wait3A_206 = tpu.memref_slice %arg4[%dma_wait3A] : memref<512xf32, #tpu.memory_space<vmem>> -> memref<64xf32, #tpu.memory_space<vmem>>
      %dma_wait3A_207 = tpu.memref_slice %arg2[%add3A_10] : memref<16384xf32, #tpu.memory_space<hbm>> -> memref<64xf32, #tpu.memory_space<hbm>>
      %dma_wait3A_208 = arith.constant 192 : i32
      %dma_wait3A_209 = tpu.memref_slice %arg4[%dma_wait3A_208] : memref<512xf32, #tpu.memory_space<vmem>> -> memref<64xf32, #tpu.memory_space<vmem>>
      %dma_wait3A_210 = tpu.memref_slice %arg2[%add3A_10] : memref<16384xf32, #tpu.memory_space<hbm>> -> memref<64xf32, #tpu.memory_space<hbm>>
      tpu.wait_dma2 semaphore(%run_scoped3A : memref<!tpu.dma_semaphore, #tpu.memory_space<semaphore_mem>>) src(%dma_wait3A_210 : memref<64xf32, #tpu.memory_space<hbm>>) dst(%dma_wait3A_209 : memref<64xf32, #tpu.memory_space<vmem>>)
      tpu.yield
    }) : () -> ()
    %add3A_11 = arith.constant 8192 : i32
    %add3A_12 = arith.addi %add3A_11, %mul3A_2 : i32
    "tpu.region"() ({
      %run_scoped3A = tpu.sem_alloc : memref<!tpu.dma_semaphore, #tpu.memory_space<semaphore_mem>>
      %dma_start3A = arith.constant 256 : i32
      %dma_start3A_201 = tpu.memref_slice %arg4[%dma_start3A] : memref<512xf32, #tpu.memory_space<vmem>> -> memref<64xf32, #tpu.memory_space<vmem>>
      %dma_start3A_202 = tpu.memref_slice %arg2[%add3A_12] : memref<16384xf32, #tpu.memory_space<hbm>> -> memref<64xf32, #tpu.memory_space<hbm>>
      %dma_start3A_203 = arith.constant 256 : i32
      %dma_start3A_204 = tpu.memref_slice %arg4[%dma_start3A_203] : memref<512xf32, #tpu.memory_space<vmem>> -> memref<64xf32, #tpu.memory_space<vmem>>
      %dma_start3A_205 = tpu.memref_slice %arg2[%add3A_12] : memref<16384xf32, #tpu.memory_space<hbm>> -> memref<64xf32, #tpu.memory_space<hbm>>
      tpu.enqueue_dma source(%dma_start3A_205 : memref<64xf32, #tpu.memory_space<hbm>>) target(%dma_start3A_204 : memref<64xf32, #tpu.memory_space<vmem>>) target_semaphore(%run_scoped3A : memref<!tpu.dma_semaphore, #tpu.memory_space<semaphore_mem>>)
      %dma_wait3A = arith.constant 256 : i32
      %dma_wait3A_206 = tpu.memref_slice %arg4[%dma_wait3A] : memref<512xf32, #tpu.memory_space<vmem>> -> memref<64xf32, #tpu.memory_space<vmem>>
      %dma_wait3A_207 = tpu.memref_slice %arg2[%add3A_12] : memref<16384xf32, #tpu.memory_space<hbm>> -> memref<64xf32, #tpu.memory_space<hbm>>
      %dma_wait3A_208 = arith.constant 256 : i32
      %dma_wait3A_209 = tpu.memref_slice %arg4[%dma_wait3A_208] : memref<512xf32, #tpu.memory_space<vmem>> -> memref<64xf32, #tpu.memory_space<vmem>>
      %dma_wait3A_210 = tpu.memref_slice %arg2[%add3A_12] : memref<16384xf32, #tpu.memory_space<hbm>> -> memref<64xf32, #tpu.memory_space<hbm>>
      tpu.wait_dma2 semaphore(%run_scoped3A : memref<!tpu.dma_semaphore, #tpu.memory_space<semaphore_mem>>) src(%dma_wait3A_210 : memref<64xf32, #tpu.memory_space<hbm>>) dst(%dma_wait3A_209 : memref<64xf32, #tpu.memory_space<vmem>>)
      tpu.yield
    }) : () -> ()
    %add3A_13 = arith.constant 10240 : i32
    %add3A_14 = arith.addi %add3A_13, %mul3A_2 : i32
    "tpu.region"() ({
      %run_scoped3A = tpu.sem_alloc : memref<!tpu.dma_semaphore, #tpu.memory_space<semaphore_mem>>
      %dma_start3A = arith.constant 320 : i32
      %dma_start3A_201 = tpu.memref_slice %arg4[%dma_start3A] : memref<512xf32, #tpu.memory_space<vmem>> -> memref<64xf32, #tpu.memory_space<vmem>>
      %dma_start3A_202 = tpu.memref_slice %arg2[%add3A_14] : memref<16384xf32, #tpu.memory_space<hbm>> -> memref<64xf32, #tpu.memory_space<hbm>>
      %dma_start3A_203 = arith.constant 320 : i32
      %dma_start3A_204 = tpu.memref_slice %arg4[%dma_start3A_203] : memref<512xf32, #tpu.memory_space<vmem>> -> memref<64xf32, #tpu.memory_space<vmem>>
      %dma_start3A_205 = tpu.memref_slice %arg2[%add3A_14] : memref<16384xf32, #tpu.memory_space<hbm>> -> memref<64xf32, #tpu.memory_space<hbm>>
      tpu.enqueue_dma source(%dma_start3A_205 : memref<64xf32, #tpu.memory_space<hbm>>) target(%dma_start3A_204 : memref<64xf32, #tpu.memory_space<vmem>>) target_semaphore(%run_scoped3A : memref<!tpu.dma_semaphore, #tpu.memory_space<semaphore_mem>>)
      %dma_wait3A = arith.constant 320 : i32
      %dma_wait3A_206 = tpu.memref_slice %arg4[%dma_wait3A] : memref<512xf32, #tpu.memory_space<vmem>> -> memref<64xf32, #tpu.memory_space<vmem>>
      %dma_wait3A_207 = tpu.memref_slice %arg2[%add3A_14] : memref<16384xf32, #tpu.memory_space<hbm>> -> memref<64xf32, #tpu.memory_space<hbm>>
      %dma_wait3A_208 = arith.constant 320 : i32
      %dma_wait3A_209 = tpu.memref_slice %arg4[%dma_wait3A_208] : memref<512xf32, #tpu.memory_space<vmem>> -> memref<64xf32, #tpu.memory_space<vmem>>
      %dma_wait3A_210 = tpu.memref_slice %arg2[%add3A_14] : memref<16384xf32, #tpu.memory_space<hbm>> -> memref<64xf32, #tpu.memory_space<hbm>>
      tpu.wait_dma2 semaphore(%run_scoped3A : memref<!tpu.dma_semaphore, #tpu.memory_space<semaphore_mem>>) src(%dma_wait3A_210 : memref<64xf32, #tpu.memory_space<hbm>>) dst(%dma_wait3A_209 : memref<64xf32, #tpu.memory_space<vmem>>)
      tpu.yield
    }) : () -> ()
    %add3A_15 = arith.constant 12288 : i32
    %add3A_16 = arith.addi %add3A_15, %mul3A_2 : i32
    "tpu.region"() ({
      %run_scoped3A = tpu.sem_alloc : memref<!tpu.dma_semaphore, #tpu.memory_space<semaphore_mem>>
      %dma_start3A = arith.constant 384 : i32
      %dma_start3A_201 = tpu.memref_slice %arg4[%dma_start3A] : memref<512xf32, #tpu.memory_space<vmem>> -> memref<64xf32, #tpu.memory_space<vmem>>
      %dma_start3A_202 = tpu.memref_slice %arg2[%add3A_16] : memref<16384xf32, #tpu.memory_space<hbm>> -> memref<64xf32, #tpu.memory_space<hbm>>
      %dma_start3A_203 = arith.constant 384 : i32
      %dma_start3A_204 = tpu.memref_slice %arg4[%dma_start3A_203] : memref<512xf32, #tpu.memory_space<vmem>> -> memref<64xf32, #tpu.memory_space<vmem>>
      %dma_start3A_205 = tpu.memref_slice %arg2[%add3A_16] : memref<16384xf32, #tpu.memory_space<hbm>> -> memref<64xf32, #tpu.memory_space<hbm>>
      tpu.enqueue_dma source(%dma_start3A_205 : memref<64xf32, #tpu.memory_space<hbm>>) target(%dma_start3A_204 : memref<64xf32, #tpu.memory_space<vmem>>) target_semaphore(%run_scoped3A : memref<!tpu.dma_semaphore, #tpu.memory_space<semaphore_mem>>)
      %dma_wait3A = arith.constant 384 : i32
      %dma_wait3A_206 = tpu.memref_slice %arg4[%dma_wait3A] : memref<512xf32, #tpu.memory_space<vmem>> -> memref<64xf32, #tpu.memory_space<vmem>>
      %dma_wait3A_207 = tpu.memref_slice %arg2[%add3A_16] : memref<16384xf32, #tpu.memory_space<hbm>> -> memref<64xf32, #tpu.memory_space<hbm>>
      %dma_wait3A_208 = arith.constant 384 : i32
      %dma_wait3A_209 = tpu.memref_slice %arg4[%dma_wait3A_208] : memref<512xf32, #tpu.memory_space<vmem>> -> memref<64xf32, #tpu.memory_space<vmem>>
      %dma_wait3A_210 = tpu.memref_slice %arg2[%add3A_16] : memref<16384xf32, #tpu.memory_space<hbm>> -> memref<64xf32, #tpu.memory_space<hbm>>
      tpu.wait_dma2 semaphore(%run_scoped3A : memref<!tpu.dma_semaphore, #tpu.memory_space<semaphore_mem>>) src(%dma_wait3A_210 : memref<64xf32, #tpu.memory_space<hbm>>) dst(%dma_wait3A_209 : memref<64xf32, #tpu.memory_space<vmem>>)
      tpu.yield
    }) : () -> ()
    %add3A_17 = arith.constant 14336 : i32
    %add3A_18 = arith.addi %add3A_17, %mul3A_2 : i32
    "tpu.region"() ({
      %run_scoped3A = tpu.sem_alloc : memref<!tpu.dma_semaphore, #tpu.memory_space<semaphore_mem>>
      %dma_start3A = arith.constant 448 : i32
      %dma_start3A_201 = tpu.memref_slice %arg4[%dma_start3A] : memref<512xf32, #tpu.memory_space<vmem>> -> memref<64xf32, #tpu.memory_space<vmem>>
      %dma_start3A_202 = tpu.memref_slice %arg2[%add3A_18] : memref<16384xf32, #tpu.memory_space<hbm>> -> memref<64xf32, #tpu.memory_space<hbm>>
      %dma_start3A_203 = arith.constant 448 : i32
      %dma_start3A_204 = tpu.memref_slice %arg4[%dma_start3A_203] : memref<512xf32, #tpu.memory_space<vmem>> -> memref<64xf32, #tpu.memory_space<vmem>>
      %dma_start3A_205 = tpu.memref_slice %arg2[%add3A_18] : memref<16384xf32, #tpu.memory_space<hbm>> -> memref<64xf32, #tpu.memory_space<hbm>>
      tpu.enqueue_dma source(%dma_start3A_205 : memref<64xf32, #tpu.memory_space<hbm>>) target(%dma_start3A_204 : memref<64xf32, #tpu.memory_space<vmem>>) target_semaphore(%run_scoped3A : memref<!tpu.dma_semaphore, #tpu.memory_space<semaphore_mem>>)
      %dma_wait3A = arith.constant 448 : i32
      %dma_wait3A_206 = tpu.memref_slice %arg4[%dma_wait3A] : memref<512xf32, #tpu.memory_space<vmem>> -> memref<64xf32, #tpu.memory_space<vmem>>
      %dma_wait3A_207 = tpu.memref_slice %arg2[%add3A_18] : memref<16384xf32, #tpu.memory_space<hbm>> -> memref<64xf32, #tpu.memory_space<hbm>>
      %dma_wait3A_208 = arith.constant 448 : i32
      %dma_wait3A_209 = tpu.memref_slice %arg4[%dma_wait3A_208] : memref<512xf32, #tpu.memory_space<vmem>> -> memref<64xf32, #tpu.memory_space<vmem>>
      %dma_wait3A_210 = tpu.memref_slice %arg2[%add3A_18] : memref<16384xf32, #tpu.memory_space<hbm>> -> memref<64xf32, #tpu.memory_space<hbm>>
      tpu.wait_dma2 semaphore(%run_scoped3A : memref<!tpu.dma_semaphore, #tpu.memory_space<semaphore_mem>>) src(%dma_wait3A_210 : memref<64xf32, #tpu.memory_space<hbm>>) dst(%dma_wait3A_209 : memref<64xf32, #tpu.memory_space<vmem>>)
      tpu.yield
    }) : () -> ()
    %iota3A = tpu.iota {dimensions = array<i32: 0>} : vector<16xi32>
    %broadcast_in_dim3A = arith.constant 0.000000e+00 : f32
    %broadcast_in_dim3A_19 = vector.broadcast %broadcast_in_dim3A : f32 to vector<16xf32>
    %broadcast_in_dim3A_20 = arith.constant 0.000000e+00 : f32
    %broadcast_in_dim3A_21 = vector.broadcast %broadcast_in_dim3A_20 : f32 to vector<16xf32>
    %get3A = arith.constant 0 : index
    %get3A_22 = tpu.vector_load %arg4[%get3A] {strides = array<i32>} : memref<512xf32, #tpu.memory_space<vmem>>, vector<16xf32>,
    %add3A_23 = arith.addf %broadcast_in_dim3A_21, %get3A_22 : vector<16xf32>
    %get3A_24 = arith.constant 16 : index
    %get3A_25 = tpu.vector_load %arg4[%get3A_24] {strides = array<i32>} : memref<512xf32, #tpu.memory_space<vmem>>, vector<16xf32>,
    %add3A_26 = arith.addf %add3A_23, %get3A_25 : vector<16xf32>
    %get3A_27 = arith.constant 32 : index
    %get3A_28 = tpu.vector_load %arg4[%get3A_27] {strides = array<i32>} : memref<512xf32, #tpu.memory_space<vmem>>, vector<16xf32>,
    %add3A_29 = arith.addf %add3A_26, %get3A_28 : vector<16xf32>
    %get3A_30 = arith.constant 48 : index
    %get3A_31 = tpu.vector_load %arg4[%get3A_30] {strides = array<i32>} : memref<512xf32, #tpu.memory_space<vmem>>, vector<16xf32>,
    %add3A_32 = arith.addf %add3A_29, %get3A_31 : vector<16xf32>
    %eq3A = arith.constant 0 : i32
    %eq3A_33 = vector.broadcast %eq3A : i32 to vector<16xi32>
    %eq3A_34 = arith.cmpi eq, %iota3A, %eq3A_33 : vector<16xi32>
    %reduce_sum3A = arith.constant true
    %reduce_sum3A_35 = vector.broadcast %reduce_sum3A : i1 to vector<16xi1>
    %reduce_sum3A_36 = tpu.scan <sum>, %add3A_32 masked %reduce_sum3A_35 : vector<16xf32>, vector<16xi1> -> vector<16xf32>
    %reduce_sum3A_37 = vector.extract %reduce_sum3A_36[15] : f32 from vector<16xf32>
    %broadcast_in_dim3A_38 = vector.broadcast %reduce_sum3A_37 : f32 to vector<16xf32>
    %select_n3A = arith.select %eq3A_34, %broadcast_in_dim3A_38, %broadcast_in_dim3A_19 : vector<16xi1>, vector<16xf32>
    %broadcast_in_dim3A_39 = arith.constant 0.000000e+00 : f32
    %broadcast_in_dim3A_40 = vector.broadcast %broadcast_in_dim3A_39 : f32 to vector<16xf32>
    %get3A_41 = arith.constant 64 : index
    %get3A_42 = tpu.vector_load %arg4[%get3A_41] {strides = array<i32>} : memref<512xf32, #tpu.memory_space<vmem>>, vector<16xf32>,
    %add3A_43 = arith.addf %broadcast_in_dim3A_40, %get3A_42 : vector<16xf32>
    %get3A_44 = arith.constant 80 : index
    %get3A_45 = tpu.vector_load %arg4[%get3A_44] {strides = array<i32>} : memref<512xf32, #tpu.memory_space<vmem>>, vector<16xf32>,
    %add3A_46 = arith.addf %add3A_43, %get3A_45 : vector<16xf32>
    %get3A_47 = arith.constant 96 : index
    %get3A_48 = tpu.vector_load %arg4[%get3A_47] {strides = array<i32>} : memref<512xf32, #tpu.memory_space<vmem>>, vector<16xf32>,
    %add3A_49 = arith.addf %add3A_46, %get3A_48 : vector<16xf32>
    %get3A_50 = arith.constant 112 : index
    %get3A_51 = tpu.vector_load %arg4[%get3A_50] {strides = array<i32>} : memref<512xf32, #tpu.memory_space<vmem>>, vector<16xf32>,
    %add3A_52 = arith.addf %add3A_49, %get3A_51 : vector<16xf32>
    %eq3A_53 = arith.constant 1 : i32
    %eq3A_54 = vector.broadcast %eq3A_53 : i32 to vector<16xi32>
    %eq3A_55 = arith.cmpi eq, %iota3A, %eq3A_54 : vector<16xi32>
    %reduce_sum3A_56 = arith.constant true
    %reduce_sum3A_57 = vector.broadcast %reduce_sum3A_56 : i1 to vector<16xi1>
    %reduce_sum3A_58 = tpu.scan <sum>, %add3A_52 masked %reduce_sum3A_57 : vector<16xf32>, vector<16xi1> -> vector<16xf32>
    %reduce_sum3A_59 = vector.extract %reduce_sum3A_58[15] : f32 from vector<16xf32>
    %broadcast_in_dim3A_60 = vector.broadcast %reduce_sum3A_59 : f32 to vector<16xf32>
    %select_n3A_61 = arith.select %eq3A_55, %broadcast_in_dim3A_60, %select_n3A : vector<16xi1>, vector<16xf32>
    %broadcast_in_dim3A_62 = arith.constant 0.000000e+00 : f32
    %broadcast_in_dim3A_63 = vector.broadcast %broadcast_in_dim3A_62 : f32 to vector<16xf32>
    %get3A_64 = arith.constant 128 : index
    %get3A_65 = tpu.vector_load %arg4[%get3A_64] {strides = array<i32>} : memref<512xf32, #tpu.memory_space<vmem>>, vector<16xf32>,
    %add3A_66 = arith.addf %broadcast_in_dim3A_63, %get3A_65 : vector<16xf32>
    %get3A_67 = arith.constant 144 : index
    %get3A_68 = tpu.vector_load %arg4[%get3A_67] {strides = array<i32>} : memref<512xf32, #tpu.memory_space<vmem>>, vector<16xf32>,
    %add3A_69 = arith.addf %add3A_66, %get3A_68 : vector<16xf32>
    %get3A_70 = arith.constant 160 : index
    %get3A_71 = tpu.vector_load %arg4[%get3A_70] {strides = array<i32>} : memref<512xf32, #tpu.memory_space<vmem>>, vector<16xf32>,
    %add3A_72 = arith.addf %add3A_69, %get3A_71 : vector<16xf32>
    %get3A_73 = arith.constant 176 : index
    %get3A_74 = tpu.vector_load %arg4[%get3A_73] {strides = array<i32>} : memref<512xf32, #tpu.memory_space<vmem>>, vector<16xf32>,
    %add3A_75 = arith.addf %add3A_72, %get3A_74 : vector<16xf32>
    %eq3A_76 = arith.constant 2 : i32
    %eq3A_77 = vector.broadcast %eq3A_76 : i32 to vector<16xi32>
    %eq3A_78 = arith.cmpi eq, %iota3A, %eq3A_77 : vector<16xi32>
    %reduce_sum3A_79 = arith.constant true
    %reduce_sum3A_80 = vector.broadcast %reduce_sum3A_79 : i1 to vector<16xi1>
    %reduce_sum3A_81 = tpu.scan <sum>, %add3A_75 masked %reduce_sum3A_80 : vector<16xf32>, vector<16xi1> -> vector<16xf32>
    %reduce_sum3A_82 = vector.extract %reduce_sum3A_81[15] : f32 from vector<16xf32>
    %broadcast_in_dim3A_83 = vector.broadcast %reduce_sum3A_82 : f32 to vector<16xf32>
    %select_n3A_84 = arith.select %eq3A_78, %broadcast_in_dim3A_83, %select_n3A_61 : vector<16xi1>, vector<16xf32>
    %broadcast_in_dim3A_85 = arith.constant 0.000000e+00 : f32
    %broadcast_in_dim3A_86 = vector.broadcast %broadcast_in_dim3A_85 : f32 to vector<16xf32>
    %get3A_87 = arith.constant 192 : index
    %get3A_88 = tpu.vector_load %arg4[%get3A_87] {strides = array<i32>} : memref<512xf32, #tpu.memory_space<vmem>>, vector<16xf32>,
    %add3A_89 = arith.addf %broadcast_in_dim3A_86, %get3A_88 : vector<16xf32>
    %get3A_90 = arith.constant 208 : index
    %get3A_91 = tpu.vector_load %arg4[%get3A_90] {strides = array<i32>} : memref<512xf32, #tpu.memory_space<vmem>>, vector<16xf32>,
    %add3A_92 = arith.addf %add3A_89, %get3A_91 : vector<16xf32>
    %get3A_93 = arith.constant 224 : index
    %get3A_94 = tpu.vector_load %arg4[%get3A_93] {strides = array<i32>} : memref<512xf32, #tpu.memory_space<vmem>>, vector<16xf32>,
    %add3A_95 = arith.addf %add3A_92, %get3A_94 : vector<16xf32>
    %get3A_96 = arith.constant 240 : index
    %get3A_97 = tpu.vector_load %arg4[%get3A_96] {strides = array<i32>} : memref<512xf32, #tpu.memory_space<vmem>>, vector<16xf32>,
    %add3A_98 = arith.addf %add3A_95, %get3A_97 : vector<16xf32>
    %eq3A_99 = arith.constant 3 : i32
    %eq3A_100 = vector.broadcast %eq3A_99 : i32 to vector<16xi32>
    %eq3A_101 = arith.cmpi eq, %iota3A, %eq3A_100 : vector<16xi32>
    %reduce_sum3A_102 = arith.constant true
    %reduce_sum3A_103 = vector.broadcast %reduce_sum3A_102 : i1 to vector<16xi1>
    %reduce_sum3A_104 = tpu.scan <sum>, %add3A_98 masked %reduce_sum3A_103 : vector<16xf32>, vector<16xi1> -> vector<16xf32>
    %reduce_sum3A_105 = vector.extract %reduce_sum3A_104[15] : f32 from vector<16xf32>
    %broadcast_in_dim3A_106 = vector.broadcast %reduce_sum3A_105 : f32 to vector<16xf32>
    %select_n3A_107 = arith.select %eq3A_101, %broadcast_in_dim3A_106, %select_n3A_84 : vector<16xi1>, vector<16xf32>
    %broadcast_in_dim3A_108 = arith.constant 0.000000e+00 : f32
    %broadcast_in_dim3A_109 = vector.broadcast %broadcast_in_dim3A_108 : f32 to vector<16xf32>
    %get3A_110 = arith.constant 256 : index
    %get3A_111 = tpu.vector_load %arg4[%get3A_110] {strides = array<i32>} : memref<512xf32, #tpu.memory_space<vmem>>, vector<16xf32>,
    %add3A_112 = arith.addf %broadcast_in_dim3A_109, %get3A_111 : vector<16xf32>
    %get3A_113 = arith.constant 272 : index
    %get3A_114 = tpu.vector_load %arg4[%get3A_113] {strides = array<i32>} : memref<512xf32, #tpu.memory_space<vmem>>, vector<16xf32>,
    %add3A_115 = arith.addf %add3A_112, %get3A_114 : vector<16xf32>
    %get3A_116 = arith.constant 288 : index
    %get3A_117 = tpu.vector_load %arg4[%get3A_116] {strides = array<i32>} : memref<512xf32, #tpu.memory_space<vmem>>, vector<16xf32>,
    %add3A_118 = arith.addf %add3A_115, %get3A_117 : vector<16xf32>
    %get3A_119 = arith.constant 304 : index
    %get3A_120 = tpu.vector_load %arg4[%get3A_119] {strides = array<i32>} : memref<512xf32, #tpu.memory_space<vmem>>, vector<16xf32>,
    %add3A_121 = arith.addf %add3A_118, %get3A_120 : vector<16xf32>
    %eq3A_122 = arith.constant 4 : i32
    %eq3A_123 = vector.broadcast %eq3A_122 : i32 to vector<16xi32>
    %eq3A_124 = arith.cmpi eq, %iota3A, %eq3A_123 : vector<16xi32>
    %reduce_sum3A_125 = arith.constant true
    %reduce_sum3A_126 = vector.broadcast %reduce_sum3A_125 : i1 to vector<16xi1>
    %reduce_sum3A_127 = tpu.scan <sum>, %add3A_121 masked %reduce_sum3A_126 : vector<16xf32>, vector<16xi1> -> vector<16xf32>
    %reduce_sum3A_128 = vector.extract %reduce_sum3A_127[15] : f32 from vector<16xf32>
    %broadcast_in_dim3A_129 = vector.broadcast %reduce_sum3A_128 : f32 to vector<16xf32>
    %select_n3A_130 = arith.select %eq3A_124, %broadcast_in_dim3A_129, %select_n3A_107 : vector<16xi1>, vector<16xf32>
    %broadcast_in_dim3A_131 = arith.constant 0.000000e+00 : f32
    %broadcast_in_dim3A_132 = vector.broadcast %broadcast_in_dim3A_131 : f32 to vector<16xf32>
    %get3A_133 = arith.constant 320 : index
    %get3A_134 = tpu.vector_load %arg4[%get3A_133] {strides = array<i32>} : memref<512xf32, #tpu.memory_space<vmem>>, vector<16xf32>,
    %add3A_135 = arith.addf %broadcast_in_dim3A_132, %get3A_134 : vector<16xf32>
    %get3A_136 = arith.constant 336 : index
    %get3A_137 = tpu.vector_load %arg4[%get3A_136] {strides = array<i32>} : memref<512xf32, #tpu.memory_space<vmem>>, vector<16xf32>,
    %add3A_138 = arith.addf %add3A_135, %get3A_137 : vector<16xf32>
    %get3A_139 = arith.constant 352 : index
    %get3A_140 = tpu.vector_load %arg4[%get3A_139] {strides = array<i32>} : memref<512xf32, #tpu.memory_space<vmem>>, vector<16xf32>,
    %add3A_141 = arith.addf %add3A_138, %get3A_140 : vector<16xf32>
    %get3A_142 = arith.constant 368 : index
    %get3A_143 = tpu.vector_load %arg4[%get3A_142] {strides = array<i32>} : memref<512xf32, #tpu.memory_space<vmem>>, vector<16xf32>,
    %add3A_144 = arith.addf %add3A_141, %get3A_143 : vector<16xf32>
    %eq3A_145 = arith.constant 5 : i32
    %eq3A_146 = vector.broadcast %eq3A_145 : i32 to vector<16xi32>
    %eq3A_147 = arith.cmpi eq, %iota3A, %eq3A_146 : vector<16xi32>
    %reduce_sum3A_148 = arith.constant true
    %reduce_sum3A_149 = vector.broadcast %reduce_sum3A_148 : i1 to vector<16xi1>
    %reduce_sum3A_150 = tpu.scan <sum>, %add3A_144 masked %reduce_sum3A_149 : vector<16xf32>, vector<16xi1> -> vector<16xf32>
    %reduce_sum3A_151 = vector.extract %reduce_sum3A_150[15] : f32 from vector<16xf32>
    %broadcast_in_dim3A_152 = vector.broadcast %reduce_sum3A_151 : f32 to vector<16xf32>
    %select_n3A_153 = arith.select %eq3A_147, %broadcast_in_dim3A_152, %select_n3A_130 : vector<16xi1>, vector<16xf32>
    %broadcast_in_dim3A_154 = arith.constant 0.000000e+00 : f32
    %broadcast_in_dim3A_155 = vector.broadcast %broadcast_in_dim3A_154 : f32 to vector<16xf32>
    %get3A_156 = arith.constant 384 : index
    %get3A_157 = tpu.vector_load %arg4[%get3A_156] {strides = array<i32>} : memref<512xf32, #tpu.memory_space<vmem>>, vector<16xf32>,
    %add3A_158 = arith.addf %broadcast_in_dim3A_155, %get3A_157 : vector<16xf32>
    %get3A_159 = arith.constant 400 : index
    %get3A_160 = tpu.vector_load %arg4[%get3A_159] {strides = array<i32>} : memref<512xf32, #tpu.memory_space<vmem>>, vector<16xf32>,
    %add3A_161 = arith.addf %add3A_158, %get3A_160 : vector<16xf32>
    %get3A_162 = arith.constant 416 : index
    %get3A_163 = tpu.vector_load %arg4[%get3A_162] {strides = array<i32>} : memref<512xf32, #tpu.memory_space<vmem>>, vector<16xf32>,
    %add3A_164 = arith.addf %add3A_161, %get3A_163 : vector<16xf32>
    %get3A_165 = arith.constant 432 : index
    %get3A_166 = tpu.vector_load %arg4[%get3A_165] {strides = array<i32>} : memref<512xf32, #tpu.memory_space<vmem>>, vector<16xf32>,
    %add3A_167 = arith.addf %add3A_164, %get3A_166 : vector<16xf32>
    %eq3A_168 = arith.constant 6 : i32
    %eq3A_169 = vector.broadcast %eq3A_168 : i32 to vector<16xi32>
    %eq3A_170 = arith.cmpi eq, %iota3A, %eq3A_169 : vector<16xi32>
    %reduce_sum3A_171 = arith.constant true
    %reduce_sum3A_172 = vector.broadcast %reduce_sum3A_171 : i1 to vector<16xi1>
    %reduce_sum3A_173 = tpu.scan <sum>, %add3A_167 masked %reduce_sum3A_172 : vector<16xf32>, vector<16xi1> -> vector<16xf32>
    %reduce_sum3A_174 = vector.extract %reduce_sum3A_173[15] : f32 from vector<16xf32>
    %broadcast_in_dim3A_175 = vector.broadcast %reduce_sum3A_174 : f32 to vector<16xf32>
    %select_n3A_176 = arith.select %eq3A_170, %broadcast_in_dim3A_175, %select_n3A_153 : vector<16xi1>, vector<16xf32>
    %broadcast_in_dim3A_177 = arith.constant 0.000000e+00 : f32
    %broadcast_in_dim3A_178 = vector.broadcast %broadcast_in_dim3A_177 : f32 to vector<16xf32>
    %get3A_179 = arith.constant 448 : index
    %get3A_180 = tpu.vector_load %arg4[%get3A_179] {strides = array<i32>} : memref<512xf32, #tpu.memory_space<vmem>>, vector<16xf32>,
    %add3A_181 = arith.addf %broadcast_in_dim3A_178, %get3A_180 : vector<16xf32>
    %get3A_182 = arith.constant 464 : index
    %get3A_183 = tpu.vector_load %arg4[%get3A_182] {strides = array<i32>} : memref<512xf32, #tpu.memory_space<vmem>>, vector<16xf32>,
    %add3A_184 = arith.addf %add3A_181, %get3A_183 : vector<16xf32>
    %get3A_185 = arith.constant 480 : index
    %get3A_186 = tpu.vector_load %arg4[%get3A_185] {strides = array<i32>} : memref<512xf32, #tpu.memory_space<vmem>>, vector<16xf32>,
    %add3A_187 = arith.addf %add3A_184, %get3A_186 : vector<16xf32>
    %get3A_188 = arith.constant 496 : index
    %get3A_189 = tpu.vector_load %arg4[%get3A_188] {strides = array<i32>} : memref<512xf32, #tpu.memory_space<vmem>>, vector<16xf32>,
    %add3A_190 = arith.addf %add3A_187, %get3A_189 : vector<16xf32>
    %eq3A_191 = arith.constant 7 : i32
    %eq3A_192 = vector.broadcast %eq3A_191 : i32 to vector<16xi32>
    %eq3A_193 = arith.cmpi eq, %iota3A, %eq3A_192 : vector<16xi32>
    %reduce_sum3A_194 = arith.constant true
    %reduce_sum3A_195 = vector.broadcast %reduce_sum3A_194 : i1 to vector<16xi1>
    %reduce_sum3A_196 = tpu.scan <sum>, %add3A_190 masked %reduce_sum3A_195 : vector<16xf32>, vector<16xi1> -> vector<16xf32>
    %reduce_sum3A_197 = vector.extract %reduce_sum3A_196[15] : f32 from vector<16xf32>
    %broadcast_in_dim3A_198 = vector.broadcast %reduce_sum3A_197 : f32 to vector<16xf32>
    %select_n3A_199 = arith.select %eq3A_193, %broadcast_in_dim3A_198, %select_n3A_176 : vector<16xi1>, vector<16xf32>
    %swap3A = arith.constant 0 : index
    %swap3A_200 = tpu.vector_load %arg5[%swap3A] {strides = array<i32>} : memref<16xf32, #tpu.memory_space<vmem>>, vector<16xf32>,
    tpu.vector_store %arg5[%swap3A], %select_n3A_199 {strides = array<i32>} : memref<16xf32, #tpu.memory_space<vmem>>, vector<16xf32>,
    "tpu.region"() ({
      %run_scoped3A = tpu.sem_alloc : memref<!tpu.dma_semaphore, #tpu.memory_space<semaphore_mem>>
      %dma_start3A = arith.constant 0 : i32
      %dma_start3A_201 = tpu.memref_slice %arg3[%add3A, %dma_start3A] : memref<32x16xf32, #tpu.memory_space<hbm>> -> memref<1x16xf32, #tpu.memory_space<hbm>>
      %dma_start3A_202 = tpu.memref_squeeze %dma_start3A_201 : memref<1x16xf32, #tpu.memory_space<hbm>> -> memref<16xf32, #tpu.memory_space<hbm>>
      %dma_start3A_203 = arith.constant 0 : i32
      %dma_start3A_204 = tpu.memref_slice %arg3[%add3A, %dma_start3A_203] : memref<32x16xf32, #tpu.memory_space<hbm>> -> memref<1x16xf32, #tpu.memory_space<hbm>>
      %dma_start3A_205 = tpu.memref_squeeze %dma_start3A_204 : memref<1x16xf32, #tpu.memory_space<hbm>> -> memref<16xf32, #tpu.memory_space<hbm>>
      tpu.enqueue_dma source(%arg5 : memref<16xf32, #tpu.memory_space<vmem>>) target(%dma_start3A_205 : memref<16xf32, #tpu.memory_space<hbm>>) target_semaphore(%run_scoped3A : memref<!tpu.dma_semaphore, #tpu.memory_space<semaphore_mem>>)
      %dma_wait3A = arith.constant 0 : i32
      %dma_wait3A_206 = tpu.memref_slice %arg3[%add3A, %dma_wait3A] : memref<32x16xf32, #tpu.memory_space<hbm>> -> memref<1x16xf32, #tpu.memory_space<hbm>>
      %dma_wait3A_207 = tpu.memref_squeeze %dma_wait3A_206 : memref<1x16xf32, #tpu.memory_space<hbm>> -> memref<16xf32, #tpu.memory_space<hbm>>
      %dma_wait3A_208 = arith.constant 0 : i32
      %dma_wait3A_209 = tpu.memref_slice %arg3[%add3A, %dma_wait3A_208] : memref<32x16xf32, #tpu.memory_space<hbm>> -> memref<1x16xf32, #tpu.memory_space<hbm>>
      %dma_wait3A_210 = tpu.memref_squeeze %dma_wait3A_209 : memref<1x16xf32, #tpu.memory_space<hbm>> -> memref<16xf32, #tpu.memory_space<hbm>>
      tpu.wait_dma2 semaphore(%run_scoped3A : memref<!tpu.dma_semaphore, #tpu.memory_space<semaphore_mem>>) src(%arg5 : memref<16xf32, #tpu.memory_space<vmem>>) dst(%dma_wait3A_210 : memref<16xf32, #tpu.memory_space<hbm>>)
      tpu.yield
    }) : () -> ()
    return
  }
}

module attributes {stable_mosaic.version = 14 : i64} {
  func.func @_router_body(%arg0: memref<2048x1024xf32, #tpu.memory_space<vmem>>, %arg1: memref<8x1024xf32, #tpu.memory_space<vmem>>, %arg2: memref<8x2048xf32, #tpu.memory_space<vmem>>, %arg3: memref<8x1xf32, #tpu.memory_space<vmem>>, %arg4: memref<16384xf32, #tpu.memory_space<vmem>>, %arg5: memref<2048x1024xbf16, #tpu.memory_space<vmem>>) attributes {dimension_semantics = [], scalar_prefetch = 0 : i64, scratch_operands = 0 : i64, tpu.core_type = #tpu.core_type<tc>} {
    %get3A = arith.constant 0 : index
    %get3A_0 = arith.constant 0 : index
    %get3A_1 = vector.load %arg0[%get3A, %get3A_0] : memref<2048x1024xf32, #tpu.memory_space<vmem>>, vector<2048x1024xf32>
    %get3A_2 = arith.constant 0 : index
    %get3A_3 = arith.constant 0 : index
    %get3A_4 = vector.load %arg1[%get3A_2, %get3A_3] : memref<8x1024xf32, #tpu.memory_space<vmem>>, vector<8x1024xf32>
    %dot_general3A = arith.constant dense<0.000000e+00> : vector<8x2048xf32>
    %dot_general3A_5 = tpu.matmul %get3A_4, %get3A_1, %dot_general3A {dimension_numbers = #tpu.dot_dimension_numbers<[1], [1], [0], [0], [0, 0, 1, 0], [], []>, transpose_lhs_hint = false} : vector<8x1024xf32>, vector<2048x1024xf32>, vector<8x2048xf32> -> vector<8x2048xf32>
    %reduce_max3A = arith.constant dense<0xFF800000> : vector<2048xf32>
    %reduce_max3A_6 = vector.multi_reduction <maximumf>, %dot_general3A_5, %reduce_max3A [0] : vector<8x2048xf32> to vector<2048xf32>
    %broadcast_in_dim3A = vector.shape_cast %reduce_max3A_6 : vector<2048xf32> to vector<1x2048xf32>
    %sub3A = vector.broadcast %broadcast_in_dim3A : vector<1x2048xf32> to vector<8x2048xf32>
    %sub3A_7 = arith.subf %dot_general3A_5, %sub3A : vector<8x2048xf32>
    %exp3A = math.exp %sub3A_7 : vector<8x2048xf32>
    %reduce_sum3A = arith.constant dense<0.000000e+00> : vector<2048xf32>
    %reduce_sum3A_8 = vector.multi_reduction <add>, %exp3A, %reduce_sum3A [0] : vector<8x2048xf32> to vector<2048xf32>
    %broadcast_in_dim3A_9 = vector.shape_cast %reduce_sum3A_8 : vector<2048xf32> to vector<1x2048xf32>
    %div3A = vector.broadcast %broadcast_in_dim3A_9 : vector<1x2048xf32> to vector<8x2048xf32>
    %div3A_10 = arith.divf %exp3A, %div3A : vector<8x2048xf32>
    %iota3A = tpu.iota {dimensions = array<i32: 0>} : vector<8x2048xi32>
    %reduce_max3A_11 = arith.constant dense<0xFF800000> : vector<2048xf32>
    %reduce_max3A_12 = vector.multi_reduction <maximumf>, %div3A_10, %reduce_max3A_11 [0] : vector<8x2048xf32> to vector<2048xf32>
    %broadcast_in_dim3A_13 = vector.shape_cast %reduce_max3A_12 : vector<2048xf32> to vector<1x2048xf32>
    %eq3A = vector.broadcast %broadcast_in_dim3A_13 : vector<1x2048xf32> to vector<8x2048xf32>
    %eq3A_14 = arith.cmpf oeq, %div3A_10, %eq3A : vector<8x2048xf32>
    %jit3A = arith.constant 8 : i32
    %broadcast_in_dim3A_15 = vector.broadcast %jit3A : i32 to vector<8x2048xi32>
    %select_n3A = arith.select %eq3A_14, %iota3A, %broadcast_in_dim3A_15 : vector<8x2048xi1>, vector<8x2048xi32>
    %reduce_min3A = arith.constant dense<2147483647> : vector<2048xi32>
    %reduce_min3A_16 = vector.multi_reduction <minsi>, %select_n3A, %reduce_min3A [0] : vector<8x2048xi32> to vector<2048xi32>
    %broadcast_in_dim3A_17 = vector.shape_cast %reduce_min3A_16 : vector<2048xi32> to vector<1x2048xi32>
    %eq3A_18 = vector.broadcast %broadcast_in_dim3A_17 : vector<1x2048xi32> to vector<8x2048xi32>
    %eq3A_19 = arith.cmpi eq, %iota3A, %eq3A_18 : vector<8x2048xi32>
    %jit3A_20 = arith.constant -1.000000e+00 : f32
    %broadcast_in_dim3A_21 = vector.broadcast %jit3A_20 : f32 to vector<8x2048xf32>
    %select_n3A_22 = arith.select %eq3A_19, %broadcast_in_dim3A_21, %div3A_10 : vector<8x2048xi1>, vector<8x2048xf32>
    %reduce_max3A_23 = arith.constant dense<0xFF800000> : vector<2048xf32>
    %reduce_max3A_24 = vector.multi_reduction <maximumf>, %select_n3A_22, %reduce_max3A_23 [0] : vector<8x2048xf32> to vector<2048xf32>
    %broadcast_in_dim3A_25 = vector.shape_cast %reduce_max3A_24 : vector<2048xf32> to vector<1x2048xf32>
    %eq3A_26 = vector.broadcast %broadcast_in_dim3A_25 : vector<1x2048xf32> to vector<8x2048xf32>
    %eq3A_27 = arith.cmpf oeq, %select_n3A_22, %eq3A_26 : vector<8x2048xf32>
    %jit3A_28 = arith.constant 8 : i32
    %broadcast_in_dim3A_29 = vector.broadcast %jit3A_28 : i32 to vector<8x2048xi32>
    %select_n3A_30 = arith.select %eq3A_27, %iota3A, %broadcast_in_dim3A_29 : vector<8x2048xi1>, vector<8x2048xi32>
    %reduce_min3A_31 = arith.constant dense<2147483647> : vector<2048xi32>
    %reduce_min3A_32 = vector.multi_reduction <minsi>, %select_n3A_30, %reduce_min3A_31 [0] : vector<8x2048xi32> to vector<2048xi32>
    %broadcast_in_dim3A_33 = vector.shape_cast %reduce_min3A_32 : vector<2048xi32> to vector<1x2048xi32>
    %eq3A_34 = vector.broadcast %broadcast_in_dim3A_33 : vector<1x2048xi32> to vector<8x2048xi32>
    %eq3A_35 = arith.cmpi eq, %iota3A, %eq3A_34 : vector<8x2048xi32>
    %add3A = arith.addf %broadcast_in_dim3A_13, %broadcast_in_dim3A_25 : vector<1x2048xf32>
    %div3A_36 = arith.divf %broadcast_in_dim3A_13, %add3A : vector<1x2048xf32>
    %jit3A_37 = arith.constant 0.000000e+00 : f32
    %broadcast_in_dim3A_38 = vector.shape_cast %div3A_36 : vector<1x2048xf32> to vector<1x2048xf32>
    %broadcast_in_dim3A_39 = vector.broadcast %broadcast_in_dim3A_38 : vector<1x2048xf32> to vector<8x2048xf32>
    %broadcast_in_dim3A_40 = vector.broadcast %jit3A_37 : f32 to vector<8x2048xf32>
    %select_n3A_41 = arith.select %eq3A_19, %broadcast_in_dim3A_39, %broadcast_in_dim3A_40 : vector<8x2048xi1>, vector<8x2048xf32>
    %div3A_42 = arith.divf %broadcast_in_dim3A_25, %add3A : vector<1x2048xf32>
    %jit3A_43 = arith.constant 0.000000e+00 : f32
    %broadcast_in_dim3A_44 = vector.shape_cast %div3A_42 : vector<1x2048xf32> to vector<1x2048xf32>
    %broadcast_in_dim3A_45 = vector.broadcast %broadcast_in_dim3A_44 : vector<1x2048xf32> to vector<8x2048xf32>
    %broadcast_in_dim3A_46 = vector.broadcast %jit3A_43 : f32 to vector<8x2048xf32>
    %select_n3A_47 = arith.select %eq3A_35, %broadcast_in_dim3A_45, %broadcast_in_dim3A_46 : vector<8x2048xi1>, vector<8x2048xf32>
    %add3A_48 = arith.addf %select_n3A_41, %select_n3A_47 : vector<8x2048xf32>
    %swap3A = arith.constant 0 : index
    %swap3A_49 = arith.constant 0 : index
    %swap3A_50 = vector.load %arg2[%swap3A, %swap3A_49] : memref<8x2048xf32, #tpu.memory_space<vmem>>, vector<8x2048xf32>
    tpu.vector_store %arg2[%swap3A, %swap3A_49], %add3A_48 {strides = array<i32>} : memref<8x2048xf32, #tpu.memory_space<vmem>>, vector<8x2048xf32>,
    %reduce_sum3A_51 = arith.constant dense<0.000000e+00> : vector<8xf32>
    %reduce_sum3A_52 = vector.multi_reduction <add>, %add3A_48, %reduce_sum3A_51 [1] : vector<8x2048xf32> to vector<8xf32>
    %broadcast_in_dim3A_53 = vector.shape_cast %reduce_sum3A_52 : vector<8xf32> to vector<8x1xf32>
    %swap3A_54 = arith.constant 0 : index
    %swap3A_55 = arith.constant 0 : index
    %swap3A_56 = vector.load %arg3[%swap3A_54, %swap3A_55] : memref<8x1xf32, #tpu.memory_space<vmem>>, vector<8x1xf32>
    tpu.vector_store %arg3[%swap3A_54, %swap3A_55], %broadcast_in_dim3A_53 {strides = array<i32>} : memref<8x1xf32, #tpu.memory_space<vmem>>, vector<8x1xf32>,
    %slice3A = vector.extract_strided_slice %add3A_48 {offsets = [0, 0], sizes = [1, 2048], strides = [1, 1]} : vector<8x2048xf32> to vector<1x2048xf32>
    %squeeze3A = vector.shape_cast %slice3A : vector<1x2048xf32> to vector<2048xf32>
    %swap3A_57 = arith.constant 0 : index
    %swap3A_58 = vector.load %arg4[%swap3A_57] : memref<16384xf32, #tpu.memory_space<vmem>>, vector<2048xf32>
    tpu.vector_store %arg4[%swap3A_57], %squeeze3A {strides = array<i32>} : memref<16384xf32, #tpu.memory_space<vmem>>, vector<2048xf32>,
    %slice3A_59 = vector.extract_strided_slice %add3A_48 {offsets = [1, 0], sizes = [1, 2048], strides = [1, 1]} : vector<8x2048xf32> to vector<1x2048xf32>
    %squeeze3A_60 = vector.shape_cast %slice3A_59 : vector<1x2048xf32> to vector<2048xf32>
    %swap3A_61 = arith.constant 2048 : index
    %swap3A_62 = vector.load %arg4[%swap3A_61] : memref<16384xf32, #tpu.memory_space<vmem>>, vector<2048xf32>
    tpu.vector_store %arg4[%swap3A_61], %squeeze3A_60 {strides = array<i32>} : memref<16384xf32, #tpu.memory_space<vmem>>, vector<2048xf32>,
    %slice3A_63 = vector.extract_strided_slice %add3A_48 {offsets = [2, 0], sizes = [1, 2048], strides = [1, 1]} : vector<8x2048xf32> to vector<1x2048xf32>
    %squeeze3A_64 = vector.shape_cast %slice3A_63 : vector<1x2048xf32> to vector<2048xf32>
    %swap3A_65 = arith.constant 4096 : index
    %swap3A_66 = vector.load %arg4[%swap3A_65] : memref<16384xf32, #tpu.memory_space<vmem>>, vector<2048xf32>
    tpu.vector_store %arg4[%swap3A_65], %squeeze3A_64 {strides = array<i32>} : memref<16384xf32, #tpu.memory_space<vmem>>, vector<2048xf32>,
    %slice3A_67 = vector.extract_strided_slice %add3A_48 {offsets = [3, 0], sizes = [1, 2048], strides = [1, 1]} : vector<8x2048xf32> to vector<1x2048xf32>
    %squeeze3A_68 = vector.shape_cast %slice3A_67 : vector<1x2048xf32> to vector<2048xf32>
    %swap3A_69 = arith.constant 6144 : index
    %swap3A_70 = vector.load %arg4[%swap3A_69] : memref<16384xf32, #tpu.memory_space<vmem>>, vector<2048xf32>
    tpu.vector_store %arg4[%swap3A_69], %squeeze3A_68 {strides = array<i32>} : memref<16384xf32, #tpu.memory_space<vmem>>, vector<2048xf32>,
    %slice3A_71 = vector.extract_strided_slice %add3A_48 {offsets = [4, 0], sizes = [1, 2048], strides = [1, 1]} : vector<8x2048xf32> to vector<1x2048xf32>
    %squeeze3A_72 = vector.shape_cast %slice3A_71 : vector<1x2048xf32> to vector<2048xf32>
    %swap3A_73 = arith.constant 8192 : index
    %swap3A_74 = vector.load %arg4[%swap3A_73] : memref<16384xf32, #tpu.memory_space<vmem>>, vector<2048xf32>
    tpu.vector_store %arg4[%swap3A_73], %squeeze3A_72 {strides = array<i32>} : memref<16384xf32, #tpu.memory_space<vmem>>, vector<2048xf32>,
    %slice3A_75 = vector.extract_strided_slice %add3A_48 {offsets = [5, 0], sizes = [1, 2048], strides = [1, 1]} : vector<8x2048xf32> to vector<1x2048xf32>
    %squeeze3A_76 = vector.shape_cast %slice3A_75 : vector<1x2048xf32> to vector<2048xf32>
    %swap3A_77 = arith.constant 10240 : index
    %swap3A_78 = vector.load %arg4[%swap3A_77] : memref<16384xf32, #tpu.memory_space<vmem>>, vector<2048xf32>
    tpu.vector_store %arg4[%swap3A_77], %squeeze3A_76 {strides = array<i32>} : memref<16384xf32, #tpu.memory_space<vmem>>, vector<2048xf32>,
    %slice3A_79 = vector.extract_strided_slice %add3A_48 {offsets = [6, 0], sizes = [1, 2048], strides = [1, 1]} : vector<8x2048xf32> to vector<1x2048xf32>
    %squeeze3A_80 = vector.shape_cast %slice3A_79 : vector<1x2048xf32> to vector<2048xf32>
    %swap3A_81 = arith.constant 12288 : index
    %swap3A_82 = vector.load %arg4[%swap3A_81] : memref<16384xf32, #tpu.memory_space<vmem>>, vector<2048xf32>
    tpu.vector_store %arg4[%swap3A_81], %squeeze3A_80 {strides = array<i32>} : memref<16384xf32, #tpu.memory_space<vmem>>, vector<2048xf32>,
    %slice3A_83 = vector.extract_strided_slice %add3A_48 {offsets = [7, 0], sizes = [1, 2048], strides = [1, 1]} : vector<8x2048xf32> to vector<1x2048xf32>
    %squeeze3A_84 = vector.shape_cast %slice3A_83 : vector<1x2048xf32> to vector<2048xf32>
    %swap3A_85 = arith.constant 14336 : index
    %swap3A_86 = vector.load %arg4[%swap3A_85] : memref<16384xf32, #tpu.memory_space<vmem>>, vector<2048xf32>
    tpu.vector_store %arg4[%swap3A_85], %squeeze3A_84 {strides = array<i32>} : memref<16384xf32, #tpu.memory_space<vmem>>, vector<2048xf32>,
    %convert_element_type3A = arith.truncf %get3A_1 : vector<2048x1024xf32> to vector<2048x1024xbf16>
    %swap3A_87 = arith.constant 0 : index
    %swap3A_88 = arith.constant 0 : index
    %swap3A_89 = vector.load %arg5[%swap3A_87, %swap3A_88] : memref<2048x1024xbf16, #tpu.memory_space<vmem>>, vector<2048x1024xbf16>
    tpu.vector_store %arg5[%swap3A_87, %swap3A_88], %convert_element_type3A {strides = array<i32>} : memref<2048x1024xbf16, #tpu.memory_space<vmem>>, vector<2048x1024xbf16>,
    return
  }
}

module attributes {stable_mosaic.version = 14 : i64} {
  func.func @_ffn_body(%arg0: i32, %arg1: i32, %arg2: memref<8xi32, #tpu.memory_space<smem>>, %arg3: memref<1xi32, #tpu.memory_space<smem>>, %arg4: memref<2048x1024xbf16, #tpu.memory_space<vmem>>, %arg5: memref<8x2048xf32, #tpu.memory_space<vmem>>, %arg6: memref<1x1024x1024xf32, #tpu.memory_space<vmem>>, %arg7: memref<1x1x1x1024xf32, #tpu.memory_space<vmem>>, %arg8: memref<1x1024x1024xf32, #tpu.memory_space<vmem>>, %arg9: memref<1x1x1x1024xf32, #tpu.memory_space<vmem>>, %arg10: memref<1x1024x1024xf32, #tpu.memory_space<vmem>>, %arg11: memref<1x1x1024xf32, #tpu.memory_space<vmem>>, %arg12: memref<2048x1024xf32, #tpu.memory_space<vmem>>, %arg13: memref<2048x1xf32, #tpu.memory_space<vmem>>) attributes {dimension_semantics = [#tpu.dimension_semantics<arbitrary>, #tpu.dimension_semantics<arbitrary>], iteration_bounds = array<i64: 8, 4>, scalar_prefetch = 2 : i64, scratch_operands = 1 : i64, tpu.core_type = #tpu.core_type<tc>, window_params = [{pipeline_mode = #tpu.pipeline_mode<synchronous>, transform_indices = @transform_0, window_bounds = array<i64: 2048, 1024>}, {pipeline_mode = #tpu.pipeline_mode<synchronous>, transform_indices = @transform_1, window_bounds = array<i64: 8, 2048>}, {transform_indices = @transform_2, window_bounds = array<i64: 1, 1024, 1024>}, {transform_indices = @transform_3, window_bounds = array<i64: 1, 1, 1, 1024>}, {transform_indices = @transform_4, window_bounds = array<i64: 1, 1024, 1024>}, {transform_indices = @transform_5, window_bounds = array<i64: 1, 1, 1, 1024>}, {transform_indices = @transform_6, window_bounds = array<i64: 1, 1024, 1024>}, {transform_indices = @transform_7, window_bounds = array<i64: 1, 1, 1024>}, {pipeline_mode = #tpu.pipeline_mode<synchronous>, transform_indices = @transform_8, window_bounds = array<i64: 2048, 1024>}]} {
    %eq3A = arith.constant 0 : i32
    %eq3A_0 = arith.cmpi eq, %arg0, %eq3A : i32
    %eq3A_1 = arith.constant 0 : i32
    %eq3A_2 = arith.cmpi eq, %arg1, %eq3A_1 : i32
    %and3A = arith.andi %eq3A_0, %eq3A_2 : i1
    %convert_element_type3A = arith.extui %and3A : i1 to i32
    %cond3A = arith.constant 0 : i32
    %cond3A_3 = arith.cmpi ne, %convert_element_type3A, %cond3A : i32
    scf.if %cond3A_3 {
      %broadcast_in_dim3A = arith.constant 0.000000e+00 : f32
      %broadcast_in_dim3A_8 = vector.broadcast %broadcast_in_dim3A : f32 to vector<2048x1024xf32>
      %swap3A = arith.constant 0 : index
      %swap3A_9 = arith.constant 0 : index
      %swap3A_10 = vector.load %arg12[%swap3A, %swap3A_9] : memref<2048x1024xf32, #tpu.memory_space<vmem>>, vector<2048x1024xf32>
      tpu.vector_store %arg12[%swap3A, %swap3A_9], %broadcast_in_dim3A_8 {strides = array<i32>} : memref<2048x1024xf32, #tpu.memory_space<vmem>>, vector<2048x1024xf32>,
    } else {
    }
    %get3A = arith.constant 0 : index
    %get3A_4 = memref.load %arg3[%get3A] : memref<1xi32, #tpu.memory_space<smem>>
    %lt3A = arith.cmpi slt, %arg0, %get3A_4 : i32
    %convert_element_type3A_5 = arith.extui %lt3A : i1 to i32
    %cond3A_6 = arith.constant 0 : i32
    %cond3A_7 = arith.cmpi ne, %convert_element_type3A_5, %cond3A_6 : i32
    scf.if %cond3A_7 {
      %get3A_8 = arith.constant 0 : index
      %get3A_9 = memref.load %arg3[%get3A_8] : memref<1xi32, #tpu.memory_space<smem>>
      %sub3A = arith.constant 1 : i32
      %sub3A_10 = arith.subi %get3A_9, %sub3A : i32
      %min3A = arith.minsi %arg0, %sub3A_10 : i32
      %get3A_11 = arith.index_cast %min3A : i32 to index
      %get3A_12 = memref.load %arg2[%get3A_11] : memref<8xi32, #tpu.memory_space<smem>>
      %eq3A_13 = arith.constant 0 : i32
      %eq3A_14 = arith.cmpi eq, %arg1, %eq3A_13 : i32
      %convert_element_type3A_15 = arith.extui %eq3A_14 : i1 to i32
      %cond3A_16 = arith.constant 0 : i32
      %cond3A_17 = arith.cmpi ne, %convert_element_type3A_15, %cond3A_16 : i32
      scf.if %cond3A_17 {
        %iota3A = tpu.iota {dimensions = array<i32: 0>} : vector<8x1xi32>
        %eq3A_77 = vector.broadcast %get3A_12 : i32 to vector<8x1xi32>
        %eq3A_78 = arith.cmpi eq, %iota3A, %eq3A_77 : vector<8x1xi32>
        %convert_element_type3A_79 = arith.extui %eq3A_78 : vector<8x1xi1> to vector<8x1xi32>
        %convert_element_type3A_80 = arith.sitofp %convert_element_type3A_79 : vector<8x1xi32> to vector<8x1xf32>
        %get3A_81 = arith.constant 0 : index
        %get3A_82 = arith.constant 0 : index
        %get3A_83 = vector.load %arg5[%get3A_81, %get3A_82] : memref<8x2048xf32, #tpu.memory_space<vmem>>, vector<8x2048xf32>
        %dot_general3A_84 = arith.constant dense<0.000000e+00> : vector<2048x1xf32>
        %dot_general3A_85 = tpu.matmul %get3A_83, %convert_element_type3A_80, %dot_general3A_84 {dimension_numbers = #tpu.dot_dimension_numbers<[0], [0], [1], [1], [0, 1, 1, 1], [], []>, transpose_lhs_hint = false} : vector<8x2048xf32>, vector<8x1xf32>, vector<2048x1xf32> -> vector<2048x1xf32>
        %swap3A_86 = arith.constant 0 : index
        %swap3A_87 = arith.constant 0 : index
        %swap3A_88 = vector.load %arg13[%swap3A_86, %swap3A_87] : memref<2048x1xf32, #tpu.memory_space<vmem>>, vector<2048x1xf32>
        tpu.vector_store %arg13[%swap3A_86, %swap3A_87], %dot_general3A_85 {strides = array<i32>} : memref<2048x1xf32, #tpu.memory_space<vmem>>, vector<2048x1xf32>,
        %get3A_89 = arith.constant 0 : index
        %get3A_90 = arith.constant 0 : index
        %get3A_91 = vector.load %arg12[%get3A_89, %get3A_90] : memref<2048x1024xf32, #tpu.memory_space<vmem>>, vector<2048x1024xf32>
        %get3A_92 = arith.constant 0 : index
        %get3A_93 = arith.constant 0 : index
        %get3A_94 = vector.load %arg13[%get3A_92, %get3A_93] : memref<2048x1xf32, #tpu.memory_space<vmem>>, vector<2048x1xf32>
        %get3A_95 = arith.constant 0 : index
        %get3A_96 = arith.constant 0 : index
        %get3A_97 = arith.constant 0 : index
        %get3A_98 = vector.load %arg11[%get3A_95, %get3A_96, %get3A_97] : memref<1x1x1024xf32, #tpu.memory_space<vmem>>, vector<1x1x1024xf32>
        %get3A_99 = vector.shape_cast %get3A_98 : vector<1x1x1024xf32> to vector<1x1024xf32>
        %mul3A_100 = vector.broadcast %get3A_94 : vector<2048x1xf32> to vector<2048x1024xf32>
        %mul3A_101 = vector.broadcast %get3A_99 : vector<1x1024xf32> to vector<2048x1024xf32>
        %mul3A_102 = arith.mulf %mul3A_100, %mul3A_101 : vector<2048x1024xf32>
        %add3A_103 = arith.addf %get3A_91, %mul3A_102 : vector<2048x1024xf32>
        %swap3A_104 = arith.constant 0 : index
        %swap3A_105 = arith.constant 0 : index
        %swap3A_106 = vector.load %arg12[%swap3A_104, %swap3A_105] : memref<2048x1024xf32, #tpu.memory_space<vmem>>, vector<2048x1024xf32>
        tpu.vector_store %arg12[%swap3A_104, %swap3A_105], %add3A_103 {strides = array<i32>} : memref<2048x1024xf32, #tpu.memory_space<vmem>>, vector<2048x1024xf32>,
      } else {
      }
      %get3A_18 = arith.constant 0 : index
      %get3A_19 = arith.constant 0 : index
      %get3A_20 = vector.load %arg13[%get3A_18, %get3A_19] : memref<2048x1xf32, #tpu.memory_space<vmem>>, vector<2048x1xf32>
      %get3A_21 = arith.constant 0 : index
      %get3A_22 = arith.constant 0 : index
      %get3A_23 = vector.load %arg4[%get3A_21, %get3A_22] : memref<2048x1024xbf16, #tpu.memory_space<vmem>>, vector<2048x1024xbf16>
      %get3A_24 = arith.constant 0 : index
      %get3A_25 = arith.constant 0 : index
      %get3A_26 = arith.constant 0 : index
      %get3A_27 = vector.load %arg6[%get3A_24, %get3A_25, %get3A_26] : memref<1x1024x1024xf32, #tpu.memory_space<vmem>>, vector<1x1024x1024xf32>
      %get3A_28 = vector.shape_cast %get3A_27 : vector<1x1024x1024xf32> to vector<1024x1024xf32>
      %convert_element_type3A_29 = arith.truncf %get3A_28 : vector<1024x1024xf32> to vector<1024x1024xbf16>
      %get3A_30 = arith.constant 0 : index
      %get3A_31 = arith.constant 0 : index
      %get3A_32 = arith.constant 0 : index
      %get3A_33 = vector.load %arg8[%get3A_30, %get3A_31, %get3A_32] : memref<1x1024x1024xf32, #tpu.memory_space<vmem>>, vector<1x1024x1024xf32>
      %get3A_34 = vector.shape_cast %get3A_33 : vector<1x1024x1024xf32> to vector<1024x1024xf32>
      %convert_element_type3A_35 = arith.truncf %get3A_34 : vector<1024x1024xf32> to vector<1024x1024xbf16>
      %get3A_36 = arith.constant 0 : index
      %get3A_37 = arith.constant 0 : index
      %get3A_38 = arith.constant 0 : index
      %get3A_39 = vector.load %arg10[%get3A_36, %get3A_37, %get3A_38] : memref<1x1024x1024xf32, #tpu.memory_space<vmem>>, vector<1x1024x1024xf32>
      %get3A_40 = vector.shape_cast %get3A_39 : vector<1x1024x1024xf32> to vector<1024x1024xf32>
      %convert_element_type3A_41 = arith.truncf %get3A_40 : vector<1024x1024xf32> to vector<1024x1024xbf16>
      %dot_general3A = arith.constant dense<0.000000e+00> : vector<2048x1024xf32>
      %dot_general3A_42 = tpu.matmul %get3A_23, %convert_element_type3A_29, %dot_general3A {dimension_numbers = #tpu.dot_dimension_numbers<[1], [1], [0], [0], [0, 0, 1, 0], [], []>, transpose_lhs_hint = false} : vector<2048x1024xbf16>, vector<1024x1024xbf16>, vector<2048x1024xf32> -> vector<2048x1024xf32>
      %get3A_43 = arith.constant 0 : index
      %get3A_44 = arith.constant 0 : index
      %get3A_45 = arith.constant 0 : index
      %get3A_46 = arith.constant 0 : index
      %get3A_47 = vector.load %arg7[%get3A_43, %get3A_44, %get3A_45, %get3A_46] : memref<1x1x1x1024xf32, #tpu.memory_space<vmem>>, vector<1x1x1x1024xf32>
      %get3A_48 = vector.shape_cast %get3A_47 : vector<1x1x1x1024xf32> to vector<1x1024xf32>
      %add3A = vector.broadcast %get3A_48 : vector<1x1024xf32> to vector<2048x1024xf32>
      %add3A_49 = arith.addf %dot_general3A_42, %add3A : vector<2048x1024xf32>
      %dot_general3A_50 = arith.constant dense<0.000000e+00> : vector<2048x1024xf32>
      %dot_general3A_51 = tpu.matmul %get3A_23, %convert_element_type3A_35, %dot_general3A_50 {dimension_numbers = #tpu.dot_dimension_numbers<[1], [1], [0], [0], [0, 0, 1, 0], [], []>, transpose_lhs_hint = false} : vector<2048x1024xbf16>, vector<1024x1024xbf16>, vector<2048x1024xf32> -> vector<2048x1024xf32>
      %get3A_52 = arith.constant 0 : index
      %get3A_53 = arith.constant 0 : index
      %get3A_54 = arith.constant 0 : index
      %get3A_55 = arith.constant 0 : index
      %get3A_56 = vector.load %arg9[%get3A_52, %get3A_53, %get3A_54, %get3A_55] : memref<1x1x1x1024xf32, #tpu.memory_space<vmem>>, vector<1x1x1x1024xf32>
      %get3A_57 = vector.shape_cast %get3A_56 : vector<1x1x1x1024xf32> to vector<1x1024xf32>
      %add3A_58 = vector.broadcast %get3A_57 : vector<1x1024xf32> to vector<2048x1024xf32>
      %add3A_59 = arith.addf %dot_general3A_51, %add3A_58 : vector<2048x1024xf32>
      %logistic3A = arith.negf %add3A_49 : vector<2048x1024xf32>
      %logistic3A_60 = math.exp %logistic3A : vector<2048x1024xf32>
      %logistic3A_61 = arith.constant 1.000000e+00 : f32
      %logistic3A_62 = vector.broadcast %logistic3A_61 : f32 to vector<2048x1024xf32>
      %logistic3A_63 = arith.addf %logistic3A_62, %logistic3A_60 : vector<2048x1024xf32>
      %logistic3A_64 = arith.divf %logistic3A_62, %logistic3A_63 : vector<2048x1024xf32>
      %mul3A = arith.mulf %add3A_49, %logistic3A_64 : vector<2048x1024xf32>
      %mul3A_65 = vector.broadcast %get3A_20 : vector<2048x1xf32> to vector<2048x1024xf32>
      %mul3A_66 = arith.mulf %add3A_59, %mul3A_65 : vector<2048x1024xf32>
      %mul3A_67 = arith.mulf %mul3A, %mul3A_66 : vector<2048x1024xf32>
      %convert_element_type3A_68 = arith.truncf %mul3A_67 : vector<2048x1024xf32> to vector<2048x1024xbf16>
      %dot_general3A_69 = arith.constant dense<0.000000e+00> : vector<2048x1024xf32>
      %dot_general3A_70 = tpu.matmul %convert_element_type3A_68, %convert_element_type3A_41, %dot_general3A_69 {dimension_numbers = #tpu.dot_dimension_numbers<[1], [1], [0], [0], [0, 0, 1, 0], [], []>, transpose_lhs_hint = false} : vector<2048x1024xbf16>, vector<1024x1024xbf16>, vector<2048x1024xf32> -> vector<2048x1024xf32>
      %get3A_71 = arith.constant 0 : index
      %get3A_72 = arith.constant 0 : index
      %get3A_73 = vector.load %arg12[%get3A_71, %get3A_72] : memref<2048x1024xf32, #tpu.memory_space<vmem>>, vector<2048x1024xf32>
      %add3A_74 = arith.addf %get3A_73, %dot_general3A_70 : vector<2048x1024xf32>
      %swap3A = arith.constant 0 : index
      %swap3A_75 = arith.constant 0 : index
      %swap3A_76 = vector.load %arg12[%swap3A, %swap3A_75] : memref<2048x1024xf32, #tpu.memory_space<vmem>>, vector<2048x1024xf32>
      tpu.vector_store %arg12[%swap3A, %swap3A_75], %add3A_74 {strides = array<i32>} : memref<2048x1024xf32, #tpu.memory_space<vmem>>, vector<2048x1024xf32>,
    } else {
    }
    return
  }
  func.func @transform_0(%arg0: i32, %arg1: i32, %arg2: memref<8xi32, #tpu.memory_space<smem>>, %arg3: memref<1xi32, #tpu.memory_space<smem>>) -> (i32, i32) {
    %c0_i32 = arith.constant 0 : i32
    %c0_i32_0 = arith.constant 0 : i32
    %c0_i32_1 = arith.constant 0 : i32
    return %c0_i32, %c0_i32_0 : i32, i32
  }
  func.func @transform_1(%arg0: i32, %arg1: i32, %arg2: memref<8xi32, #tpu.memory_space<smem>>, %arg3: memref<1xi32, #tpu.memory_space<smem>>) -> (i32, i32) {
    %c0_i32 = arith.constant 0 : i32
    %c0_i32_0 = arith.constant 0 : i32
    %c0_i32_1 = arith.constant 0 : i32
    return %c0_i32, %c0_i32_0 : i32, i32
  }
  func.func @transform_2(%arg0: i32, %arg1: i32, %arg2: memref<8xi32, #tpu.memory_space<smem>>, %arg3: memref<1xi32, #tpu.memory_space<smem>>) -> (i32, i32, i32) {
    %get3A = arith.constant 0 : index
    %get3A_0 = memref.load %arg3[%get3A] : memref<1xi32, #tpu.memory_space<smem>>
    %lt3A = arith.cmpi slt, %arg0, %get3A_0 : i32
    %get3A_1 = arith.constant 0 : index
    %get3A_2 = memref.load %arg3[%get3A_1] : memref<1xi32, #tpu.memory_space<smem>>
    %sub3A = arith.constant 1 : i32
    %sub3A_3 = arith.subi %get3A_2, %sub3A : i32
    %select_n3A = arith.select %lt3A, %arg0, %sub3A_3 : i32
    %get3A_4 = arith.index_cast %select_n3A : i32 to index
    %get3A_5 = memref.load %arg2[%get3A_4] : memref<8xi32, #tpu.memory_space<smem>>
    %jit3A = arith.constant 3 : i32
    %select_n3A_6 = arith.select %lt3A, %arg1, %jit3A : i32
    %c0_i32 = arith.constant 0 : i32
    %c0_i32_7 = arith.constant 0 : i32
    return %get3A_5, %select_n3A_6, %c0_i32 : i32, i32, i32
  }
  func.func @transform_3(%arg0: i32, %arg1: i32, %arg2: memref<8xi32, #tpu.memory_space<smem>>, %arg3: memref<1xi32, #tpu.memory_space<smem>>) -> (i32, i32, i32, i32) {
    %get3A = arith.constant 0 : index
    %get3A_0 = memref.load %arg3[%get3A] : memref<1xi32, #tpu.memory_space<smem>>
    %lt3A = arith.cmpi slt, %arg0, %get3A_0 : i32
    %get3A_1 = arith.constant 0 : index
    %get3A_2 = memref.load %arg3[%get3A_1] : memref<1xi32, #tpu.memory_space<smem>>
    %sub3A = arith.constant 1 : i32
    %sub3A_3 = arith.subi %get3A_2, %sub3A : i32
    %select_n3A = arith.select %lt3A, %arg0, %sub3A_3 : i32
    %get3A_4 = arith.index_cast %select_n3A : i32 to index
    %get3A_5 = memref.load %arg2[%get3A_4] : memref<8xi32, #tpu.memory_space<smem>>
    %jit3A = arith.constant 3 : i32
    %select_n3A_6 = arith.select %lt3A, %arg1, %jit3A : i32
    %c0_i32 = arith.constant 0 : i32
    %c0_i32_7 = arith.constant 0 : i32
    %c0_i32_8 = arith.constant 0 : i32
    return %get3A_5, %select_n3A_6, %c0_i32, %c0_i32_7 : i32, i32, i32, i32
  }
  func.func @transform_4(%arg0: i32, %arg1: i32, %arg2: memref<8xi32, #tpu.memory_space<smem>>, %arg3: memref<1xi32, #tpu.memory_space<smem>>) -> (i32, i32, i32) {
    %get3A = arith.constant 0 : index
    %get3A_0 = memref.load %arg3[%get3A] : memref<1xi32, #tpu.memory_space<smem>>
    %lt3A = arith.cmpi slt, %arg0, %get3A_0 : i32
    %get3A_1 = arith.constant 0 : index
    %get3A_2 = memref.load %arg3[%get3A_1] : memref<1xi32, #tpu.memory_space<smem>>
    %sub3A = arith.constant 1 : i32
    %sub3A_3 = arith.subi %get3A_2, %sub3A : i32
    %select_n3A = arith.select %lt3A, %arg0, %sub3A_3 : i32
    %get3A_4 = arith.index_cast %select_n3A : i32 to index
    %get3A_5 = memref.load %arg2[%get3A_4] : memref<8xi32, #tpu.memory_space<smem>>
    %jit3A = arith.constant 3 : i32
    %select_n3A_6 = arith.select %lt3A, %arg1, %jit3A : i32
    %c0_i32 = arith.constant 0 : i32
    %c0_i32_7 = arith.constant 0 : i32
    return %get3A_5, %select_n3A_6, %c0_i32 : i32, i32, i32
  }
  func.func @transform_5(%arg0: i32, %arg1: i32, %arg2: memref<8xi32, #tpu.memory_space<smem>>, %arg3: memref<1xi32, #tpu.memory_space<smem>>) -> (i32, i32, i32, i32) {
    %get3A = arith.constant 0 : index
    %get3A_0 = memref.load %arg3[%get3A] : memref<1xi32, #tpu.memory_space<smem>>
    %lt3A = arith.cmpi slt, %arg0, %get3A_0 : i32
    %get3A_1 = arith.constant 0 : index
    %get3A_2 = memref.load %arg3[%get3A_1] : memref<1xi32, #tpu.memory_space<smem>>
    %sub3A = arith.constant 1 : i32
    %sub3A_3 = arith.subi %get3A_2, %sub3A : i32
    %select_n3A = arith.select %lt3A, %arg0, %sub3A_3 : i32
    %get3A_4 = arith.index_cast %select_n3A : i32 to index
    %get3A_5 = memref.load %arg2[%get3A_4] : memref<8xi32, #tpu.memory_space<smem>>
    %jit3A = arith.constant 3 : i32
    %select_n3A_6 = arith.select %lt3A, %arg1, %jit3A : i32
    %c0_i32 = arith.constant 0 : i32
    %c0_i32_7 = arith.constant 0 : i32
    %c0_i32_8 = arith.constant 0 : i32
    return %get3A_5, %select_n3A_6, %c0_i32, %c0_i32_7 : i32, i32, i32, i32
  }
  func.func @transform_6(%arg0: i32, %arg1: i32, %arg2: memref<8xi32, #tpu.memory_space<smem>>, %arg3: memref<1xi32, #tpu.memory_space<smem>>) -> (i32, i32, i32) {
    %get3A = arith.constant 0 : index
    %get3A_0 = memref.load %arg3[%get3A] : memref<1xi32, #tpu.memory_space<smem>>
    %lt3A = arith.cmpi slt, %arg0, %get3A_0 : i32
    %get3A_1 = arith.constant 0 : index
    %get3A_2 = memref.load %arg3[%get3A_1] : memref<1xi32, #tpu.memory_space<smem>>
    %sub3A = arith.constant 1 : i32
    %sub3A_3 = arith.subi %get3A_2, %sub3A : i32
    %select_n3A = arith.select %lt3A, %arg0, %sub3A_3 : i32
    %get3A_4 = arith.index_cast %select_n3A : i32 to index
    %get3A_5 = memref.load %arg2[%get3A_4] : memref<8xi32, #tpu.memory_space<smem>>
    %jit3A = arith.constant 3 : i32
    %select_n3A_6 = arith.select %lt3A, %arg1, %jit3A : i32
    %get3A_7 = arith.constant 0 : index
    %get3A_8 = memref.load %arg3[%get3A_7] : memref<1xi32, #tpu.memory_space<smem>>
    %lt3A_9 = arith.cmpi slt, %arg0, %get3A_8 : i32
    %get3A_10 = arith.constant 0 : index
    %get3A_11 = memref.load %arg3[%get3A_10] : memref<1xi32, #tpu.memory_space<smem>>
    %sub3A_12 = arith.constant 1 : i32
    %sub3A_13 = arith.subi %get3A_11, %sub3A_12 : i32
    %select_n3A_14 = arith.select %lt3A_9, %arg0, %sub3A_13 : i32
    %get3A_15 = arith.index_cast %select_n3A_14 : i32 to index
    %get3A_16 = memref.load %arg2[%get3A_15] : memref<8xi32, #tpu.memory_space<smem>>
    %jit3A_17 = arith.constant 3 : i32
    %select_n3A_18 = arith.select %lt3A_9, %arg1, %jit3A_17 : i32
    %c0_i32 = arith.constant 0 : i32
    %c0_i32_19 = arith.constant 0 : i32
    return %get3A_5, %c0_i32, %select_n3A_18 : i32, i32, i32
  }
  func.func @transform_7(%arg0: i32, %arg1: i32, %arg2: memref<8xi32, #tpu.memory_space<smem>>, %arg3: memref<1xi32, #tpu.memory_space<smem>>) -> (i32, i32, i32) {
    %get3A = arith.constant 0 : index
    %get3A_0 = memref.load %arg3[%get3A] : memref<1xi32, #tpu.memory_space<smem>>
    %lt3A = arith.cmpi slt, %arg0, %get3A_0 : i32
    %get3A_1 = arith.constant 0 : index
    %get3A_2 = memref.load %arg3[%get3A_1] : memref<1xi32, #tpu.memory_space<smem>>
    %sub3A = arith.constant 1 : i32
    %sub3A_3 = arith.subi %get3A_2, %sub3A : i32
    %select_n3A = arith.select %lt3A, %arg0, %sub3A_3 : i32
    %get3A_4 = arith.index_cast %select_n3A : i32 to index
    %get3A_5 = memref.load %arg2[%get3A_4] : memref<8xi32, #tpu.memory_space<smem>>
    %jit3A = arith.constant 3 : i32
    %select_n3A_6 = arith.select %lt3A, %arg1, %jit3A : i32
    %c0_i32 = arith.constant 0 : i32
    %c0_i32_7 = arith.constant 0 : i32
    %c0_i32_8 = arith.constant 0 : i32
    return %get3A_5, %c0_i32, %c0_i32_7 : i32, i32, i32
  }
  func.func @transform_8(%arg0: i32, %arg1: i32, %arg2: memref<8xi32, #tpu.memory_space<smem>>, %arg3: memref<1xi32, #tpu.memory_space<smem>>) -> (i32, i32) {
    %c0_i32 = arith.constant 0 : i32
    %c0_i32_0 = arith.constant 0 : i32
    %c0_i32_1 = arith.constant 0 : i32
    return %c0_i32, %c0_i32_0 : i32, i32
  }
}

</mosaic_0001>

<sc_bundles>
// kernel: kernel.5.cloned.1.call-start
scs
__scs_entry_jumppad:
0x0: {  	(pc) =	sbr.rel $0x88, $3  }
0x1: {  	(tag) =	ssettag $0x0;
	lr =	simm.s32 $0x1  }
0x2: {  	[smem:$0x3F99] =	sst lr;
	_ =	strace $0xD0000000  }
0x3: {  	_ = 	snop  }
0x4: {  	_ = 	snop  }
0x5: {  	_ = 	snop  }
0x6: {  	_ = 	snop  }
0x7: {  	_ = 	snop  }
__scs_overlays_trampoline_lowered:
0x8: {  	[smem:$0x3FA8] =	sst s0  }
0x9: {  	[smem:$0x3FA9] =	sst s1  }
0xa: {  	[smem:$0x3FAA] =	sst s2  }
0xb: {  	[smem:$0x3FAB] =	sst s3  }
0xc: {  	[smem:$0x3FAC] =	sst s4  }
0xd: {  	[smem:$0x3FAD] =	sst s5  }
0xe: {  	[smem:$0x3FAE] =	sst s6  }
0xf: {  	[smem:$0x3FAF] =	sst s7  }
0x10: {  	[smem:$0x3FB0] =	sst s8  }
0x11: {  	[smem:$0x3FB1] =	sst s9;
	s0 =	simm.s32 @!p0 $0x0  }
0x12: {  	s1 =	sld [smem:$0x3F97];
	s0 =	simm.s32 @p0 $0x1  }
0x13: {  	[smem:$0x3FB2] =	sst s0;
	s0 =	simm.s32 @!p1 $0x0  }
0x14: {  	s2 =	sld [smem:$0x3F96];
	s0 =	simm.s32 @p1 $0x1  }
0x15: {  	[smem:$0x3FB3] =	sst s0;
	s0 =	simm.s32 @!p2 $0x0  }
0x16: {  	s3 =	sld [smem:$0x3FDB];
	s0 =	simm.s32 @p2 $0x1  }
0x17: {  	s4 =	simm.s32 $0x1BF5;
	[smem:$0x3FB5] =	sst s0  }
0x18: {  	s0 =	sld [smem:$0x3F98];
	_ =	swait.ge [sflag:s4], $0x0  }
0x19: {  	s7 =	sld [smem:$0x3F99]  }
0x1a: {  	s8 =	sadd.s32 $0xFFFFE003, lr  }
0x1b: {  	s9 =	sadd.s32 $0xFFFFFEF7, lr;
	s5 =	simm.s32 $0xFFFFFFFF;
	p2 =	slt.u32 s8, $0xFFFFF086  }
0x1c: {  	p1 =	slt.u32 s9, $0xF7A;
	s5 =	simm.s32 @!p2 $0x0  }
0x1d: {  	s5 =	simm.s32 @p1 $0x1;
	p0 =	seq.s32 s7, s2  }
0x1e: {  	s7 =	smul.u32 @!p0 $0xF7A, s2;
	p2 =	seq.s32 @!p0 s5, $0x0  }
0x1f: {  	s9 =	smul.u32 $0xF7A, s1;
	s8 =	simm.s32 @!p0 $0x1BF5;
	p2 =	por !p2, p0  }
0x20: {  	[sflag:s8] =	ssyncset.s32 @!p0 $0xFFFFF086;
	s6 =	sadd.s32 @!p0 s3, s7;
	s7 =	simm.s32 @!p0 $0x108  }
0x21: {  	s3 =	sadd.s32 s3, s9;
	s6 =	sadd.s32 @!p0 $0x88, s6;
	s7 =	simm.s32 @p2 $0x1082  }
0x22: {  	[simem:s7], [sflag:s8] =	dma.local @!p0 [hbm:s6], $0xF7A  }
0x23: {  	s9 =	sor.u32 $0xD0000000, s2;
	s6 =	simm.s32 $0x108;
	_ =	swait.ge @!p0 [sflag:s8], $0x0  }
0x24: {  	s3 =	sadd.s32 $0x88, s3;
	s6 =	simm.s32 @!p1 $0x1082;
	[sflag:s4] =	ssyncset.s32 $0xFFFFF086  }
0x25: {  	[simem:s6], [sflag:s4] =	dma.local [hbm:s3], $0xF7A  }
0x26: {  	[smem:$0x3F99] =	sst s1;
	(tag) =	ssettag s2;
	_ =	strace s9  }
0x27: {  	s1 =	sld [smem:$0x3FA9]  }
0x28: {  	s2 =	sld [smem:$0x3FAA]  }
0x29: {  	s4 =	sld [smem:$0x3FAC]  }
0x2a: {  	p0 =	seq.s32 s5, $0x0;
	s5 =	sld [smem:$0x3FAD]  }
0x2b: {  	s6 =	sld [smem:$0x3FAE]  }
0x2c: {  	s7 =	sld [smem:$0x3FAF]  }
0x2d: {  	s3 =	simm.s32 $0x108;
	s8 =	sld [smem:$0x3FB0]  }
0x2e: {  	s3 =	simm.s32 @!p0 $0x1082;
	s9 =	sld [smem:$0x3FB1]  }
0x2f: {  	lr =	sadd.s32 s0, s3;
	s0 =	sld [smem:$0x3FA8]  }
0x30: {  	s3 =	sld [smem:$0x3FAB]  }
0x31: {  	[smem:$0x3FB4] =	sst s10  }
0x32: {  	s10 =	sld [smem:$0x3FB2];
	_ =	sdelay $0x3  }
0x33: {  	p0 =	seq.s32 s10, $0x1;
	s10 =	sld [smem:$0x3FB4];
	_ =	sdelay $0x3  }
0x34: {  	[smem:$0x3FB4] =	sst s10  }
0x35: {  	s10 =	sld [smem:$0x3FB3];
	_ =	sdelay $0x3  }
0x36: {  	p1 =	seq.s32 s10, $0x1;
	s10 =	sld [smem:$0x3FB4];
	_ =	sdelay $0x3  }
0x37: {  	[smem:$0x3FB4] =	sst s10  }
0x38: {  	s10 =	sld [smem:$0x3FB5]  }
0x39: {  	_ = 	snop;
	(pc) =	sbr.ind lr, $3  }
0x3a: {  	_ = 	snop  }
0x3b: {  	_ = 	snop  }
0x3c: {  	p2 =	seq.s32 s10, $0x1;
	s10 =	sld [smem:$0x3FB4]  }
0x3d: {  	_ =	shalt  }
0x3e: {  	_ =	shalt  }
0x3f: {  	_ =	shalt  }
0x40: {  	_ =	shalt  }
0x41: {  	_ =	shalt  }
0x42: {  	_ =	shalt  }
0x43: {  	_ =	shalt  }
0x44: {  	_ =	shalt  }
0x45: {  	_ =	shalt  }
0x46: {  	_ =	shalt  }
0x47: {  	_ =	shalt  }
0x48: {  	_ =	shalt  }
0x49: {  	_ =	shalt  }
0x4a: {  	_ =	shalt  }
0x4b: {  	_ =	shalt  }
0x4c: {  	_ =	shalt  }
0x4d: {  	_ =	shalt  }
0x4e: {  	_ =	shalt  }
0x4f: {  	_ =	shalt  }
0x50: {  	_ =	shalt  }
0x51: {  	_ =	shalt  }
0x52: {  	_ =	shalt  }
0x53: {  	_ =	shalt  }
0x54: {  	_ =	shalt  }
0x55: {  	_ =	shalt  }
0x56: {  	_ =	shalt  }
0x57: {  	_ =	shalt  }
0x58: {  	_ =	shalt  }
0x59: {  	_ =	shalt  }
0x5a: {  	_ =	shalt  }
0x5b: {  	_ =	shalt  }
0x5c: {  	_ =	shalt  }
0x5d: {  	_ =	shalt  }
0x5e: {  	_ =	shalt  }
0x5f: {  	_ =	shalt  }
0x60: {  	_ =	shalt  }
0x61: {  	_ =	shalt  }
0x62: {  	_ =	shalt  }
0x63: {  	_ =	shalt  }
0x64: {  	_ =	shalt  }
0x65: {  	_ =	shalt  }
0x66: {  	_ =	shalt  }
0x67: {  	_ =	shalt  }
0x68: {  	_ =	shalt  }
0x69: {  	_ =	shalt  }
0x6a: {  	_ =	shalt  }
0x6b: {  	_ =	shalt  }
0x6c: {  	_ =	shalt  }
0x6d: {  	_ =	shalt  }
0x6e: {  	_ =	shalt  }
0x6f: {  	_ =	shalt  }
0x70: {  	_ =	shalt  }
0x71: {  	_ =	shalt  }
0x72: {  	_ =	shalt  }
0x73: {  	_ =	shalt  }
0x74: {  	_ =	shalt  }
0x75: {  	_ =	shalt  }
0x76: {  	_ =	shalt  }
0x77: {  	_ =	shalt  }
0x78: {  	_ =	shalt  }
0x79: {  	_ =	shalt  }
0x7a: {  	_ =	shalt  }
0x7b: {  	_ =	shalt  }
0x7c: {  	_ =	shalt  }
0x7d: {  	_ =	shalt  }
0x7e: {  	_ =	shalt  }
0x7f: {  	_ =	shalt  }
0x80: {  	_ =	shalt  }
0x81: {  	_ =	shalt  }
0x82: {  	_ =	shalt  }
0x83: {  	_ =	shalt  }
0x84: {  	_ =	shalt  }
0x85: {  	_ =	shalt  }
0x86: {  	_ =	shalt  }
0x87: {  	_ =	shalt  }
.Lfunc_end0:
.L_simem_size_0:
called_computation_lowered:
.L_overlay_start_0:
0x88: {  	s2 =	sld [smem:$0x3FD9]  }
0x89: {  	s3 =	sld [smem:$0x3FFE];
	_ =	sdelay $0x1  }
0x8a: {  	s1 =	srdreg.scid  }
0x8b: {  	s0 =	sand.u32 $0x1, s1  }
0x8c: {  	s16 =	sshll.u32 s0, $0xA;
	s2 =	sadd.s32 s3, s2  }
0x8d: {  	s2 =	sadd.s32 s2, s16  }
0x8e: {  	[smem:$0x3FC0] =	sst s2  }
0x8f: {  	_ = 	snop  }
0x90: {  	(tm) =	ssettm $0x1  }
0x91: {  	s17 =	sld [smem:$0x3FFB];
	_ =	sdelay $0x3  }
0x92: {  	_ =	strace s17  }
0x93: {  	s2 =	sld [smem:$0x3FFC];
	_ =	sdelay $0x3  }
0x94: {  	_ =	strace s2  }
0x95: {  	s2 =	sld [smem:$0x3FFD];
	_ =	sdelay $0x3  }
0x96: {  	_ =	strace s2  }
0x97: {  	_ =	strace $0x8FFFFFFF  }
0x98: {  	s18 =	sld [smem:$0x3FDB];
	_ =	sdelay $0x1  }
0x99: {  	s19 =	simm.s32 $_scs_section_size  }
0x9a: {  	s4 =	simm.s32 $_size__tile_overlayer_lowered;
	s5 =	simm.s32 $_tile_overlayer_lowered  }
0x9b: {  	s22 =	simm.s32 $0x1BFF;
	s21 =	sshll.u32 s5, $0x1;
	s2 =	sadd.s32 s19, s18  }
0x9c: {  	s6 =	simm.s32 $0x0;
	s20 =	sshll.u32 s4, $0x1;
	s4 =	sadd.s32 s21, s2  }
0x9d: {  	[timem:s6], [sflag:s22] =	dma.local [hbm:s4], s20  }
0x9e: {  	_ =	swait.ge [sflag:s22], s20  }
0x9f: {  	s3 =	ssub.s32 $0x0, s20;
	[sflag:s22] =	ssyncset.done $0x0  }
0xa0: {  	[sflag:s22] =	ssyncadd.s32 s3;
	_ =	sdelay $0x1  }
0xa1: {  	s23 =	simm.s32 $0x1B8B  }
0xa2: {  	_ =	swait.ge [sflag:s23], $0x1  }
0xa3: {  	[sflag:s23] =	ssyncset.done $0x0  }
0xa4: {  	s25 =	simm.s32 $0x1B8E;
	s24 =	sld [smem:$0x3FFE];
	[sflag:s23] =	ssyncadd.s32 $0xFFFFFFFF  }
0xa5: {  	s26 =	simm.s32 $execute0_lowered;
	[smem:$0x3FD2] =	sst s25  }
0xa6: {  	s4 =	sshll.u32 s26, $0x1;
	_ =	strace $0x80000046;
	[dreg:$0x1] =	wrdreg $0xFFFFFFFF  }
0xa7: {  	s28 =	simm.s32 $_size_execute0_lowered;
	s2 =	sadd.s32 s2, s4;
	[dreg:$0x0] =	wrdreg $0x0  }
0xa8: {  	s4 =	sshll.u32 s28, $0x1;
	[dreg:$0x2] =	wrdreg s2  }
0xa9: {  	[dreg:$0x3] =	wrdreg s4  }
0xaa: {  	[dreg:$0x4] =	wrdreg $0xC0  }
0xab: {  	_ =	task [dreg:s6], $0x5FFFF  }
0xac: {  	[dreg:$0x1] =	wrdreg $0xFFFFFFFF  }
0xad: {  	[dreg:$0x0] =	wrdreg $0x60  }
0xae: {  	[dreg:$0x2] =	wrdreg s24  }
0xaf: {  	[dreg:$0x3] =	wrdreg $0x9  }
0xb0: {  	_ =	task.clear_ibuf [dreg:s6], $0x4FFFF;
	_ =	strace $0x90000046  }
0xb1: {  	s29 =	simm.s32 $0x9;
	_ =	strace $0x80000048  }
0xb2: {  	_ =	swait.ge [sflag:s29], $0x1  }
0xb3: {  	[sflag:s29] =	ssyncadd.s32 $0xFFFFFFFF  }
0xb4: {  	_ =	strace $0x90000048  }
0xb5: {  	_ =	sfence  }
0xb6: {  	s30 =	sld [smem:$0x0];
	_ =	sdelay $0x2  }
0xb7: {  	s31 =	sshll.u32 s1, $0xD;
	s1 =	sshrl.u32 s1, $0x2  }
0xb8: {  	s3 =	sand.u32 $0x4000, s31;
	s1 =	sadd.s32 s1, s30  }
0xb9: {  	s0 =	sor.u32 s3, s0;
	s1 =	sshll.u32 s1, $0x11  }
0xba: {  	s0 =	sor.u32 s1, s0  }
0xbb: {  	s0 =	sadd.s32 $0x8F2B, s0  }
0xbc: {  	[sflag:s0] =	ssyncadd.remote.s32 $0x1  }
0xbd: {  	_ =	sfence.sel $0xFFFF  }
0xbe: {  	[dreg:$0x0] =	wrdreg $0xFFFFFFFF;
	(pc) =	sbr.abs _section_cstart, $3  }
0xbf: {  	[dreg:$0x1] =	wrdreg $0xFFFFFFFF  }
0xc0: {  	_ =	task.clear_ibuf [dreg:s6], $0x2FFFF;
	_ =	strace $0x9FFFFFFF  }
0xc1: {  	(tm) =	ssettm $0x7FFFFFFF  }
tec
execute0_lowered:
.L_overlay_start_1:
0x0: {  	(tag) =	ssettag $0x1  }
0x1: {  	s1 =	srdreg.scid;
	s0 =	stileid.u32  }
0x2: {  	s21 =	sand.u32 $0x1, s1;
	s31 =	sshll.u32 s0, $0x1  }
0x3: {  	s4 =	rddreg [dreg:$0x0];
	s5 =	sor.u32 s21, s31  }
0x4: {  	s2 =	simm.s32 $0x0;
	s1 =	rddreg [dreg:$0x1];
	s3 =	sshll.u32 s5, $0x3  }
0x5: {  	[smem:$0x7FF] =	sst s2;
	s19 =	sadd.s32 s3, s4  }
0x6: {  	_ =	strace $0x80000047;
	s3 =	simm.s32 $0x1;
	s6 =	sadd.s32 $0x20000, s19  }
0x7: {  	[tilespmem:s2], [sflag:$0x1] =	stream.linear.gather [hbm4b:s6+s2], $0x40, $0x38;
	[tilespmem:$0x280] =	vst v63  }
0x8: {  	_ =	swait.ge [sflag:s3], $0x40  }
0x9: {  	[sflag:s3] =	ssyncset.done $0x0  }
0xa: {  	s8 =	simm.s32 $0x40;
	s7 =	sadd.s32 $0x20100, s19;
	[sflag:s3] =	ssyncadd.s32 $0xFFFFFFC0  }
0xb: {  	[tilespmem:s8], [sflag:$0x1] =	stream.linear.gather [hbm4b:s7+s2], $0x40, $0x38;
	[tilespmem:$0x280] =	vst v63  }
0xc: {  	_ =	swait.ge [sflag:s3], $0x40  }
0xd: {  	[sflag:s3] =	ssyncset.done $0x0  }
0xe: {  	s10 =	simm.s32 $0x80;
	s9 =	sadd.s32 $0x20200, s19;
	[sflag:s3] =	ssyncadd.s32 $0xFFFFFFC0  }
0xf: {  	[tilespmem:s10], [sflag:$0x1] =	stream.linear.gather [hbm4b:s9+s2], $0x40, $0x38;
	[tilespmem:$0x280] =	vst v63  }
0x10: {  	_ =	swait.ge [sflag:s3], $0x40  }
0x11: {  	[sflag:s3] =	ssyncset.done $0x0  }
0x12: {  	s12 =	simm.s32 $0xC0;
	s11 =	sadd.s32 $0x20300, s19;
	[sflag:s3] =	ssyncadd.s32 $0xFFFFFFC0  }
0x13: {  	[tilespmem:s12], [sflag:$0x1] =	stream.linear.gather [hbm4b:s11+s2], $0x40, $0x38;
	[tilespmem:$0x280] =	vst v63  }
0x14: {  	_ =	swait.ge [sflag:s3], $0x40  }
0x15: {  	[sflag:s3] =	ssyncset.done $0x0  }
0x16: {  	s14 =	simm.s32 $0x100;
	s13 =	sadd.s32 $0x20400, s19;
	[sflag:s3] =	ssyncadd.s32 $0xFFFFFFC0  }
0x17: {  	[tilespmem:s14], [sflag:$0x1] =	stream.linear.gather [hbm4b:s13+s2], $0x40, $0x38;
	[tilespmem:$0x280] =	vst v63  }
0x18: {  	_ =	swait.ge [sflag:s3], $0x40  }
0x19: {  	[sflag:s3] =	ssyncset.done $0x0  }
0x1a: {  	s16 =	simm.s32 $0x140;
	s15 =	sadd.s32 $0x20500, s19;
	[sflag:s3] =	ssyncadd.s32 $0xFFFFFFC0  }
0x1b: {  	[tilespmem:s16], [sflag:$0x1] =	stream.linear.gather [hbm4b:s15+s2], $0x40, $0x38;
	[tilespmem:$0x280] =	vst v63  }
0x1c: {  	_ =	swait.ge [sflag:s3], $0x40  }
0x1d: {  	[sflag:s3] =	ssyncset.done $0x0  }
0x1e: {  	s18 =	simm.s32 $0x180;
	s17 =	sadd.s32 $0x20600, s19;
	[sflag:s3] =	ssyncadd.s32 $0xFFFFFFC0  }
0x1f: {  	[tilespmem:s18], [sflag:$0x1] =	stream.linear.gather [hbm4b:s17+s2], $0x40, $0x38;
	[tilespmem:$0x280] =	vst v63  }
0x20: {  	_ =	swait.ge [sflag:s3], $0x40  }
0x21: {  	[sflag:s3] =	ssyncset.done $0x0  }
0x22: {  	s20 =	simm.s32 $0x1C0;
	s19 =	sadd.s32 $0x20700, s19;
	[sflag:s3] =	ssyncadd.s32 $0xFFFFFFC0  }
0x23: {  	[tilespmem:s20], [sflag:$0x1] =	stream.linear.gather [hbm4b:s19+s2], $0x40, $0x38;
	[tilespmem:$0x280] =	vst v63  }
0x24: {  	_ =	swait.ge [sflag:s3], $0x40  }
0x25: {  	[sflag:s3] =	ssyncset.done $0x0  }
0x26: {  	[sflag:s3] =	ssyncadd.s32 $0xFFFFFFC0  }
0x27: {  	v4 =	vld [tilespmem:$0xA0]  }
0x28: {  	s21 =	ssub.s32 $0x2, s21;
	v1 =	vld [tilespmem:$0x70]  }
0x29: {  	s22 =	sshrl.u32 s21, $0x1;
	v2 =	vld [tilespmem:$0x10]  }
0x2a: {  	s21 =	ssub.s32 s21, s22;
	v6 =	vld [tilespmem:$0x90]  }
0x2b: {  	s21 =	smax.u32 s21, $0x1;
	v3 =	vld [tilespmem:$0xB0]  }
0x2c: {  	p0 =	sne.s32 s21, $0x1;
	v10 =	vld [tilespmem:$0x80]  }
.Ltmp0:
0x2d: {  	v0 =	vld [tilespmem:$0x1C0];
	(pc) =	sbr.rel @!p0 .LBB2_2-.Ltmp0, $4  }
0x2e: {  	v5 =	vld [tilespmem:$0x60]  }
0x2f: {  	vm7 =	vmmov $0x1;
	vm6 =	vcmask $0x320;
	vm5 =	vcmask $0x720;
	s5 =	sshll.u32 s5, $0x4;
	v7 =	vld [tilespmem:$0x50]  }
0x30: {  	vm2 =	vcmask $0xB20;
	vm1 =	vcmask $0xF20;
	vm0 =	vcmask $0x1320;
	s4 =	sadd.s32 s5, s4;
	v8 =	vld [tilespmem:$0x40]  }
0x31: {  	vm3 =	vcmask $0x1720;
	vm4 =	vcmask $0x1B20;
	s5 =	simm.s32 $0x200;
	s4 =	sadd.s32 $0x21000, s4;
	s21 =	sadd.s32 $0xFFFFFFFF, s21;
	v9 =	vld [tilespmem:$0x0];
	v10 =	vadd.f32 $0.0e+00, v10  }
.LBB2_1:
0x32: {  	p0 =	sne.s32 s21, $0x1;
	s21 =	sadd.s32 $0xFFFFFFFF, s21;
	v11 =	vld [tilespmem:$0x100]  }
0x33: {  	v6 =	vadd.f32 v6, v10;
	v10 =	vld [tilespmem:$0x110]  }
0x34: {  	v12 =	vld [tilespmem:$0x20]  }
0x35: {  	v8 =	vadd.f32 $0.0e+00, v8;
	v4 =	vadd.f32 v4, v6;
	v6 =	vld [tilespmem:$0x120]  }
0x36: {  	v9 =	vadd.f32 $0.0e+00, v9;
	v13 =	vld [tilespmem:$0x30]  }
0x37: {  	v7 =	vadd.f32 v7, v8;
	v8 =	vadd.f32 $0.0e+00, v11;
	v11 =	vld [tilespmem:$0x140]  }
0x38: {  	v3 =	vadd.f32 v3, v4;
	v2 =	vadd.f32 v2, v9;
	v4 =	vld [tilespmem:$0x130]  }
0x39: {  	v5 =	vadd.f32 v5, v7;
	v7 =	vadd.f32 v10, v8;
	v8 =	vld [tilespmem:$0x150]  }
0x3a: {  	v2 =	vadd.f32 v12, v2;
	v9 =	vld [tilespmem:$0x180];
	(xrf2) =	vadd.scan.msk.f32 $0xffff, v3  }
0x3b: {  	v1 =	vadd.f32 v1, v5;
	v3 =	vadd.f32 v6, v7;
	v5 =	vld [tilespmem:$0x160]  }
0x3c: {  	v2 =	vadd.f32 v13, v2;
	v6 =	vadd.f32 $0.0e+00, v11;
	v7 =	vld [tilespmem:$0x190]  }
0x3d: {  	v3 =	vadd.f32 v4, v3;
	v4 =	vld [tilespmem:$0x170]  }
0x3e: {  	v6 =	vadd.f32 v8, v6;
	v8 =	vld [tilespmem:$0x1A0];
	(xrf2) =	vadd.scan.msk.f32 $0xffff, v2  }
0x3f: {  	v2 =	vld [tilespmem:$0xC0];
	v9 =	vadd.f32 $0.0e+00, v9  }
0x40: {  	v5 =	vadd.f32 v5, v6;
	v6 =	vld [tilespmem:$0x1B0]  }
0x41: {  	v10 =	vld [tilespmem:$0xD0];
	v7 =	vadd.f32 v7, v9;
	(xrf2) =	vadd.scan.msk.f32 $0xffff, v3  }
0x42: {  	v3 =	vadd.f32 v4, v5  }
0x43: {  	v4 =	vld [tilespmem:$0xE0];
	v5 =	vadd.f32 v8, v7  }
0x44: {  	v2 =	vadd.f32 $0.0e+00, v2;
	(xrf2) =	vadd.scan.msk.f32 $0xffff, v1;
	v1, _, _ =	vpop (xrf2)  }
0x45: {  	v7 =	vld [tilespmem:$0xF0];
	v5 =	vadd.f32 v6, v5  }
0x46: {  	v2 =	vadd.f32 v10, v2;
	v6 =	vld [tilespmem:$0x1D0];
	_ =	sdelay $0x1  }
0x47: {  	v2 =	vadd.f32 v4, v2;
	v4 =	vld [tilespmem:$0x1E0];
	v8, _, _ =	vpop (xrf2)  }
0x48: {  	v0 =	vadd.f32 $0.0e+00, v0;
	v8 =	vbroadcast v8, $0xF;
	(xrf2) =	vadd.scan.msk.f32 $0xffff, v3  }
0x49: {  	v2 =	vadd.f32 v7, v2;
	v3 =	vld [tilespmem:$0x1F0]  }
0x4a: {  	v0 =	vadd.f32 v6, v0;
	v6, _, _ =	vpop (xrf2)  }
0x4b: {  	(xrf2) =	vadd.scan.msk.f32 $0xffff, v2  }
0x4c: {  	v0 =	vadd.f32 v4, v0  }
0x4d: {  	v2, _, _ =	vpop (xrf2)  }
0x4e: {  	v0 =	vadd.f32 v3, v0;
	(xrf2) =	vadd.scan.msk.f32 $0xffff, v5;
	_ =	sdelay $0x2  }
0x4f: {  	(xrf2) =	vadd.scan.msk.f32 $0xffff, v0  }
0x50: {  	v0 =	vbroadcast v2, $0xF;
	v2, _, _ =	vpop (xrf2)  }
0x51: {  	v4 =	vbroadcast v1, $0xF;
	v3 =	vnsel vm7, $0x0, v8  }
0x52: {  	v0 =	vsel vm6, v3, v0  }
0x53: {  	v0 =	vsel vm5, v0, v4;
	v1, _, _ =	vpop (xrf2);
	_ =	sdelay $0x2  }
0x54: {  	v5 =	vbroadcast v6, $0xF;
	v1 =	vbroadcast v1, $0xF;
	v4, _, _ =	vpop (xrf2)  }
0x55: {  	v2 =	vbroadcast v2, $0xF  }
0x56: {  	v0 =	vsel vm2, v0, v1;
	v1 =	vbroadcast v4, $0xF  }
0x57: {  	v0 =	vsel vm1, v0, v5;
	v3, _, _ =	vpop (xrf2)  }
0x58: {  	v0 =	vsel vm0, v0, v2;
	v2 =	vbroadcast v3, $0xF  }
0x59: {  	v0 =	vsel vm3, v0, v1  }
0x5a: {  	v0 =	vsel vm4, v0, v2  }
0x5b: {  	[tilespmem:$0x200] =	vst v0  }
0x5c: {  	[hbm4b:s4+s2] =	stream.linear.scatter [tilespmem:s5], [sflag:$0x1], $0x80, $0x38;
	[tilespmem:$0x280] =	vst v63  }
0x5d: {  	_ =	swait.ge [sflag:s3], $0x80  }
0x5e: {  	[sflag:s3] =	ssyncset.done $0x0  }
0x5f: {  	[sflag:s3] =	ssyncadd.s32 $0xFFFFFF80  }
0x60: {  	[tilespmem:s2], [sflag:$0x1] =	stream.linear.gather [hbm4b:s6+s2], $0x40, $0x38;
	[tilespmem:$0x280] =	vst v63  }
0x61: {  	_ =	swait.ge [sflag:s3], $0x40  }
0x62: {  	[sflag:s3] =	ssyncset.done $0x0  }
0x63: {  	[sflag:s3] =	ssyncadd.s32 $0xFFFFFFC0  }
0x64: {  	[tilespmem:s8], [sflag:$0x1] =	stream.linear.gather [hbm4b:s7+s2], $0x40, $0x38;
	[tilespmem:$0x280] =	vst v63  }
0x65: {  	_ =	swait.ge [sflag:s3], $0x40  }
0x66: {  	[sflag:s3] =	ssyncset.done $0x0  }
0x67: {  	[sflag:s3] =	ssyncadd.s32 $0xFFFFFFC0  }
0x68: {  	[tilespmem:s10], [sflag:$0x1] =	stream.linear.gather [hbm4b:s9+s2], $0x40, $0x38;
	[tilespmem:$0x280] =	vst v63  }
0x69: {  	_ =	swait.ge [sflag:s3], $0x40  }
0x6a: {  	[sflag:s3] =	ssyncset.done $0x0  }
0x6b: {  	[sflag:s3] =	ssyncadd.s32 $0xFFFFFFC0  }
0x6c: {  	[tilespmem:s12], [sflag:$0x1] =	stream.linear.gather [hbm4b:s11+s2], $0x40, $0x38;
	[tilespmem:$0x280] =	vst v63  }
0x6d: {  	_ =	swait.ge [sflag:s3], $0x40  }
0x6e: {  	[sflag:s3] =	ssyncset.done $0x0  }
0x6f: {  	[sflag:s3] =	ssyncadd.s32 $0xFFFFFFC0  }
0x70: {  	[tilespmem:s14], [sflag:$0x1] =	stream.linear.gather [hbm4b:s13+s2], $0x40, $0x38;
	[tilespmem:$0x280] =	vst v63  }
0x71: {  	_ =	swait.ge [sflag:s3], $0x40  }
0x72: {  	[sflag:s3] =	ssyncset.done $0x0  }
0x73: {  	[sflag:s3] =	ssyncadd.s32 $0xFFFFFFC0  }
0x74: {  	[tilespmem:s16], [sflag:$0x1] =	stream.linear.gather [hbm4b:s15+s2], $0x40, $0x38;
	[tilespmem:$0x280] =	vst v63  }
0x75: {  	_ =	swait.ge [sflag:s3], $0x40  }
0x76: {  	[sflag:s3] =	ssyncset.done $0x0  }
0x77: {  	[sflag:s3] =	ssyncadd.s32 $0xFFFFFFC0  }
0x78: {  	[tilespmem:s18], [sflag:$0x1] =	stream.linear.gather [hbm4b:s17+s2], $0x40, $0x38;
	[tilespmem:$0x280] =	vst v63  }
0x79: {  	_ =	swait.ge [sflag:s3], $0x40  }
0x7a: {  	[sflag:s3] =	ssyncset.done $0x0  }
0x7b: {  	[sflag:s3] =	ssyncadd.s32 $0xFFFFFFC0  }
0x7c: {  	[tilespmem:s20], [sflag:$0x1] =	stream.linear.gather [hbm4b:s19+s2], $0x40, $0x38;
	[tilespmem:$0x280] =	vst v63  }
0x7d: {  	_ =	swait.ge [sflag:s3], $0x40  }
0x7e: {  	[sflag:s3] =	ssyncset.done $0x0  }
0x7f: {  	[sflag:s3] =	ssyncadd.s32 $0xFFFFFFC0  }
0x80: {  	v4 =	vld [tilespmem:$0xA0]  }
0x81: {  	v1 =	vld [tilespmem:$0x70]  }
0x82: {  	v2 =	vld [tilespmem:$0x10]  }
0x83: {  	v6 =	vld [tilespmem:$0x90]  }
0x84: {  	v3 =	vld [tilespmem:$0xB0]  }
0x85: {  	v10 =	vld [tilespmem:$0x80]  }
.Ltmp1:
0x86: {  	v0 =	vld [tilespmem:$0x1C0];
	(pc) =	sbr.rel @p0 .LBB2_1-.Ltmp1, $4  }
0x87: {  	v5 =	vld [tilespmem:$0x60]  }
0x88: {  	v7 =	vld [tilespmem:$0x50]  }
0x89: {  	v8 =	vld [tilespmem:$0x40]  }
0x8a: {  	v9 =	vld [tilespmem:$0x0];
	v10 =	vadd.f32 $0.0e+00, v10  }
.LBB2_2:
0x8b: {  	v11 =	vld [tilespmem:$0x100]  }
0x8c: {  	v12 =	vld [tilespmem:$0x110]  }
0x8d: {  	v13 =	vld [tilespmem:$0x20]  }
0x8e: {  	v14 =	vld [tilespmem:$0x120]  }
0x8f: {  	v15 =	vld [tilespmem:$0x30]  }
0x90: {  	v16 =	vld [tilespmem:$0x140]  }
0x91: {  	v17 =	vld [tilespmem:$0x130]  }
0x92: {  	v18 =	vld [tilespmem:$0x150]  }
0x93: {  	v37 =	vld [tilespmem:$0xC0];
	v6 =	vadd.f32 v6, v10  }
0x94: {  	v35 =	vld [tilespmem:$0x180];
	v0 =	vadd.f32 $0.0e+00, v0;
	v8 =	vadd.f32 $0.0e+00, v8  }
0x95: {  	v19 =	vld [tilespmem:$0x160];
	v4 =	vadd.f32 v4, v6;
	v9 =	vadd.f32 $0.0e+00, v9  }
0x96: {  	v39 =	vld [tilespmem:$0x190];
	v36 =	vadd.f32 v7, v8;
	v38 =	vadd.f32 $0.0e+00, v11  }
0x97: {  	v41 =	vld [tilespmem:$0xD0];
	v3 =	vadd.f32 v3, v4;
	v44 =	vadd.f32 $0.0e+00, v16  }
0x98: {  	v43 =	vld [tilespmem:$0x170];
	v7 =	vadd.f32 $0.0e+00, v37;
	v2 =	vadd.f32 v2, v9  }
0x99: {  	v45 =	vld [tilespmem:$0xE0];
	v49 =	vadd.f32 $0.0e+00, v35;
	v42 =	vadd.f32 v12, v38  }
0x9a: {  	v46 =	vld [tilespmem:$0xF0];
	v40 =	vadd.f32 v5, v36;
	v2 =	vadd.f32 v13, v2  }
0x9b: {  	v47 =	vld [tilespmem:$0x1D0];
	v4 =	vadd.f32 v18, v44;
	v6 =	vadd.f32 v14, v42  }
0x9c: {  	v48 =	vld [tilespmem:$0x1A0];
	v5 =	vadd.f32 v41, v7;
	v2 =	vadd.f32 v15, v2  }
0x9d: {  	v50 =	vld [tilespmem:$0x1E0];
	(xrf2) =	vadd.scan.msk.f32 $0xffff, v3;
	v4 =	vadd.f32 v19, v4;
	v6 =	vadd.f32 v17, v6  }
0x9e: {  	v51 =	vld [tilespmem:$0x1B0];
	v1 =	vadd.f32 v1, v40;
	v5 =	vadd.f32 v45, v5;
	(xrf2) =	vadd.scan.msk.f32 $0xffff, v2  }
0x9f: {  	v52 =	vld [tilespmem:$0x1F0];
	v3 =	vadd.f32 v39, v49;
	v4 =	vadd.f32 v43, v4;
	(xrf2) =	vadd.scan.msk.f32 $0xffff, v6  }
0xa0: {  	v0 =	vadd.f32 v47, v0;
	v53 =	vadd.f32 v46, v5;
	(xrf2) =	vadd.scan.msk.f32 $0xffff, v1  }
0xa1: {  	v3 =	vadd.f32 v48, v3;
	(xrf2) =	vadd.scan.msk.f32 $0xffff, v4  }
0xa2: {  	v0 =	vadd.f32 v50, v0;
	(xrf2) =	vadd.scan.msk.f32 $0xffff, v53  }
0xa3: {  	v54 =	vadd.f32 v51, v3  }
0xa4: {  	v0 =	vadd.f32 v52, v0  }
0xa5: {  	(xrf2) =	vadd.scan.msk.f32 $0xffff, v54  }
0xa6: {  	(xrf2) =	vadd.scan.msk.f32 $0xffff, v0  }
0xa7: {  	v55, _, _ =	vpop (xrf2)  }
0xa8: {  	v56, _, _ =	vpop (xrf2)  }
0xa9: {  	v57, _, _ =	vpop (xrf2)  }
0xaa: {  	v1 =	vbroadcast v56, $0xF;
	v58, _, _ =	vpop (xrf2)  }
0xab: {  	v3 =	vbroadcast v58, $0xF;
	v4, _, _ =	vpop (xrf2)  }
0xac: {  	v0 =	vbroadcast v55, $0xF;
	v1 =	vnsel vm7, $0x0, v1;
	v59, _, _ =	vpop (xrf2)  }
0xad: {  	v1 =	vsel vm6, v1, v3;
	v60 =	vbroadcast v59, $0xF  }
0xae: {  	v61 =	vbroadcast v57, $0xF;
	v0 =	vsel vm5, v1, v0  }
0xaf: {  	v4 =	vbroadcast v4, $0xF;
	v62, _, _ =	vpop (xrf2);
	v0 =	vsel vm2, v0, v60  }
0xb0: {  	v2 =	vbroadcast v62, $0xF;
	v63, _, _ =	vpop (xrf2);
	v0 =	vsel vm1, v0, v61  }
0xb1: {  	v1 =	vbroadcast v63, $0xF;
	v0 =	vsel vm0, v0, v4  }
0xb2: {  	v0 =	vsel vm3, v0, v2  }
0xb3: {  	v0 =	vsel vm4, v0, v1  }
0xb4: {  	[tilespmem:$0x200] =	vst v0  }
0xb5: {  	[hbm4b:s4+s2] =	stream.linear.scatter [tilespmem:s5], [sflag:$0x1], $0x80, $0x38;
	[tilespmem:$0x280] =	vst v63  }
0xb6: {  	_ =	swait.ge [sflag:s3], $0x80  }
0xb7: {  	[sflag:s3] =	ssyncset.done $0x0  }
0xb8: {  	[sflag:s3] =	ssyncadd.s32 $0xFFFFFF80  }
0xb9: {  	_ =	sfence.sel $0x180000  }
0xba: {  	[bflag:$0x0] =	sbarrier.arrive $0xFFFF  }
0xbb: {  	p0 =	sne.s32 s0, $0x0;
	_ =	strace $0x90000047  }
0xbc: {  	s0 =	sadd.s32 @!p0 $0x100000, s1;
	[bflag:$0x2] =	sbarrier.arrive $0xFFFF  }
0xbd: {  	[sflag:s0] =	ssyncadd.tile.s32 @!p0 $0x1;
	_ =	shalt  }
.Lfunc_end2:
_tile_overlayer_lowered:
.L_overlay_start_2:
0xbe: {  	(tag) =	ssettag $0x2  }
0xbf: {  	s0 =	rddreg [dreg:$0x0];
	s2 =	stileid.u32  }
0xc0: {  	s1 =	rddreg [dreg:$0x1];
	p0 =	sne.s32 s2, $0x0  }
0xc1: {  	s3 =	rddreg [dreg:$0x2];
	[bflag:$0x3] =	sbarrier.arrive $0xFFFF;
	s2 =	simm.s32 @!p0 $0x1C01  }
0xc2: {  	[timem:s3], [sflag:s2] =	dma.local @!p0 [hbm:s0], s1  }
0xc3: {  	s0 =	simm.s32 @!p0 $0x1  }
0xc4: {  	_ =	swait.ge @!p0 [sflag:s0], s1  }
0xc5: {  	s1 =	ssub.s32 @!p0 $0x0, s1;
	[sflag:s0] =	ssyncset.done @!p0 $0x0  }
0xc6: {  	[sflag:s0] =	ssyncadd.s32 @!p0 s1  }
0xc7: {  	[bflag:$0x3] =	sbarrier.arrive $0xFFFF  }
0xc8: {  	_ =	shalt  }

</sc_bundles>
